<compile_context>
chip_gen: v7x
topology: tpu7x:2x2x1
jax: 0.10.2.dev20260603
libtpu: 0.0.44.dev20260713+nightly
codegen_flags: <defaults>
</compile_context>

<pallas_src>
import functools

import jax
import jax.numpy as jnp
from jax import lax
from jax.experimental import pallas as pl
from jax.experimental.pallas import tpu as pltpu
from jax.experimental.pallas import tpu_sc as plsc

_NC = 2
_NS = 16
_NW = _NC * _NS
_D = 256
_CHUNK = 128
_NBUF = 3


@functools.cache
def _make_gather(out_shape, B):
    b_per_w = B // _NW
    n_chunks = b_per_w // _CHUNK
    mesh = plsc.VectorSubcoreMesh(core_axis_name="c", subcore_axis_name="s")
    n_outer = -(-n_chunks // _NBUF)

    @functools.partial(
        pl.kernel,
        mesh=mesh,
        out_type=jax.ShapeDtypeStruct(out_shape, jnp.float32),
        scratch_types=[
            pltpu.VMEM((b_per_w,), jnp.int32),
            *[pltpu.VMEM((_CHUNK, _D), jnp.float32) for _ in range(_NBUF)],
            *[pltpu.SemaphoreType.DMA for _ in range(2 * _NBUF)],
        ],
    )
    def k(idx_hbm, table_hbm, out_hbm, idx_v, *bufs_sems):
        bufs = bufs_sems[:_NBUF]
        gsems = bufs_sems[_NBUF:2 * _NBUF]
        osems = bufs_sems[2 * _NBUF:]
        wid = lax.axis_index("s") * _NC + lax.axis_index("c")
        base = wid * b_per_w
        out_flat = out_hbm.reshape(B, _D)
        pltpu.sync_copy(idx_hbm.at[pl.ds(wid * b_per_w, b_per_w)], idx_v)

        def gather(j, p):
            idx = idx_v.at[pl.ds(j * _CHUNK, _CHUNK)]
            pltpu.async_copy(table_hbm.at[idx], bufs[p], gsems[p])

        def gather_wait(j, p):
            idx = idx_v.at[pl.ds(j * _CHUNK, _CHUNK)]
            pltpu.make_async_copy(table_hbm.at[idx], bufs[p], gsems[p]).wait()

        def put(j, p):
            dst = out_flat.at[pl.ds(base + j * _CHUNK, _CHUNK)]
            pltpu.async_copy(bufs[p], dst, osems[p])

        def put_wait(j, p):
            dst = out_flat.at[pl.ds(base + j * _CHUNK, _CHUNK)]
            pltpu.make_async_copy(bufs[p], dst, osems[p]).wait()

        gather(0, 0)
        gather(1, 1)

        def body(jj, carry):
            for p in range(_NBUF):
                j = jj * _NBUF + p
                pprev = (p - 1) % _NBUF

                @pl.when(j < n_chunks)
                def _():
                    gather_wait(j, p)
                    put(j, p)

                @pl.when(jnp.logical_and(j >= 1, j < n_chunks))
                def _():
                    put_wait(j - 1, pprev)

                @pl.when(j + 2 < n_chunks)
                def _():
                    gather(j + 2, pprev)

            return carry

        lax.fori_loop(0, n_outer, body, 0)
        put_wait(n_chunks - 1, (n_chunks - 1) % _NBUF)

    return k


def kernel(word_tokens, table):
    B = word_tokens.size
    idx = word_tokens if word_tokens.dtype == jnp.int32 else word_tokens.astype(jnp.int32)
    idx = idx.reshape(B)
    return _make_gather((*word_tokens.shape, _D), B)(idx, table)

# --- scband reference (transcript-rebuilt; emitter-appended) ---
"""Pipeline reference for scband-text-encoder-83605833384501 (READ-ONLY COPY).

The authoritative reference and input builder live on the scoring server;
editing this copy changes nothing except your own understanding.
"""

import jax, jax.numpy as jnp
import numpy as np

VOCAB_SIZE = 100000
EMBED_DIM = 256
PAD_ID = 0


def setup_inputs(seed: int = 0) -> dict:
    key = jax.random.key(seed)
    k1, k2 = jax.random.split(key)
    word_tokens = jax.random.randint(k1, (1024, 50, 4), 0, VOCAB_SIZE, dtype=jnp.int64 if jax.config.jax_enable_x64 else jnp.int32)
    table = jax.random.normal(k2, (VOCAB_SIZE, EMBED_DIM), dtype=jnp.float32)
    table = table.at[PAD_ID].set(0.0)  # nn.Embedding padding_idx row is zero
    return {"word_tokens": word_tokens, "table": table}


def reference(word_tokens, table):
    # nn.Embedding lookup: [B, M, 4] -> [B, M, 4, D]
    emb = jnp.take(table, word_tokens, axis=0)
    # padding_idx semantics: output for pad tokens is exactly zero
    mask = (word_tokens != PAD_ID)[..., None].astype(emb.dtype)
    return emb * mask

if __name__ == "__main__":
    import jax
    _d = setup_inputs()
    print(jax.jit(kernel)(*tuple(_d.values())))

</pallas_src>

<mosaic_0001>
#map = affine_map<(d0, d1) -> (0)>
#map1 = affine_map<(d0, d1) -> (0, 0)>
#map2 = affine_map<(d0, d1) -> (0, 0, 0, 0)>
module attributes {stable_mosaic.version = 14 : i64} {
  func.func @k(%arg0: i32, %arg1: i32, %arg2: memref<204800xi32, #tpu.memory_space<hbm>>, %arg3: memref<100000x256xf32, #tpu.memory_space<hbm>>, %arg4: memref<1024x50x4x256xf32, #tpu.memory_space<hbm>>, %arg5: memref<6400xi32, #tpu.memory_space<vmem>>, %arg6: memref<128x256xf32, #tpu.memory_space<vmem>>, %arg7: memref<128x256xf32, #tpu.memory_space<vmem>>, %arg8: memref<128x256xf32, #tpu.memory_space<vmem>>, %arg9: memref<!tpu.dma_semaphore, #tpu.memory_space<semaphore_mem>>, %arg10: memref<!tpu.dma_semaphore, #tpu.memory_space<semaphore_mem>>, %arg11: memref<!tpu.dma_semaphore, #tpu.memory_space<semaphore_mem>>, %arg12: memref<!tpu.dma_semaphore, #tpu.memory_space<semaphore_mem>>, %arg13: memref<!tpu.dma_semaphore, #tpu.memory_space<semaphore_mem>>, %arg14: memref<!tpu.dma_semaphore, #tpu.memory_space<semaphore_mem>>) attributes {dimension_semantics = [#tpu.dimension_semantics<core_parallel>, #tpu.dimension_semantics<subcore_parallel>], iteration_bounds = array<i64: 2, 16>, scalar_prefetch = 0 : i64, scratch_operands = 10 : i64, tpu.core_type = #tpu.core_type<sc_vector_subcore>, window_params = [{transform_indices = #map}, {transform_indices = #map1}, {transform_indices = #map2}]} {
    %mul3A = arith.constant 2 : i32
    %mul3A_0 = arith.muli %arg1, %mul3A : i32
    %add3A = arith.addi %mul3A_0, %arg0 : i32
    %mul3A_1 = arith.constant 6400 : i32
    %mul3A_2 = arith.muli %add3A, %mul3A_1 : i32
    %mul3A_3 = arith.constant 6400 : i32
    %mul3A_4 = arith.muli %add3A, %mul3A_3 : i32
    "tpu.region"() ({
      %run_scoped3A = tpu.sem_alloc : memref<!tpu.dma_semaphore, #tpu.memory_space<semaphore_mem>>
      %dma_start3A_26 = tpu.memref_slice %arg2[%mul3A_4] : memref<204800xi32, #tpu.memory_space<hbm>> -> memref<6400xi32, #tpu.memory_space<hbm>>
      %dma_start3A_27 = tpu.memref_slice %arg2[%mul3A_4] : memref<204800xi32, #tpu.memory_space<hbm>> -> memref<6400xi32, #tpu.memory_space<hbm>>
      tpu.enqueue_dma source(%dma_start3A_27 : memref<6400xi32, #tpu.memory_space<hbm>>) target(%arg5 : memref<6400xi32, #tpu.memory_space<vmem>>) target_semaphore(%run_scoped3A : memref<!tpu.dma_semaphore, #tpu.memory_space<semaphore_mem>>)
      %dma_wait3A_28 = tpu.memref_slice %arg2[%mul3A_4] : memref<204800xi32, #tpu.memory_space<hbm>> -> memref<6400xi32, #tpu.memory_space<hbm>>
      %dma_wait3A_29 = tpu.memref_slice %arg2[%mul3A_4] : memref<204800xi32, #tpu.memory_space<hbm>> -> memref<6400xi32, #tpu.memory_space<hbm>>
      tpu.wait_dma2 semaphore(%run_scoped3A : memref<!tpu.dma_semaphore, #tpu.memory_space<semaphore_mem>>) src(%dma_wait3A_29 : memref<6400xi32, #tpu.memory_space<hbm>>) dst(%arg5 : memref<6400xi32, #tpu.memory_space<vmem>>)
      tpu.yield
    }) : () -> ()
    %dma_start3A = arith.constant 0 : i32
    %dma_start3A_5 = tpu.memref_slice %arg5[%dma_start3A] : memref<6400xi32, #tpu.memory_space<vmem>> -> memref<128xi32, #tpu.memory_space<vmem>>
    %dma_start3A_6 = arith.constant 0 : i32
    %dma_start3A_7 = arith.constant 0 : i32
    %dma_start3A_8 = tpu.memref_slice %arg3[%dma_start3A_6, %dma_start3A_7] : memref<100000x256xf32, #tpu.memory_space<hbm>> -> memref<100000x256xf32, #tpu.memory_space<hbm>>
    tpu.enqueue_indirect_dma source(%dma_start3A_8 : memref<100000x256xf32, #tpu.memory_space<hbm>>) target(%arg6 : memref<128x256xf32, #tpu.memory_space<vmem>>) offsets(%dma_start3A_5 : memref<128xi32, #tpu.memory_space<vmem>>) semaphore(%arg9 : memref<!tpu.dma_semaphore, #tpu.memory_space<semaphore_mem>>)
    %dma_start3A_9 = arith.constant 128 : i32
    %dma_start3A_10 = tpu.memref_slice %arg5[%dma_start3A_9] : memref<6400xi32, #tpu.memory_space<vmem>> -> memref<128xi32, #tpu.memory_space<vmem>>
    %dma_start3A_11 = arith.constant 0 : i32
    %dma_start3A_12 = arith.constant 0 : i32
    %dma_start3A_13 = tpu.memref_slice %arg3[%dma_start3A_11, %dma_start3A_12] : memref<100000x256xf32, #tpu.memory_space<hbm>> -> memref<100000x256xf32, #tpu.memory_space<hbm>>
    tpu.enqueue_indirect_dma source(%dma_start3A_13 : memref<100000x256xf32, #tpu.memory_space<hbm>>) target(%arg7 : memref<128x256xf32, #tpu.memory_space<vmem>>) offsets(%dma_start3A_10 : memref<128xi32, #tpu.memory_space<vmem>>) semaphore(%arg10 : memref<!tpu.dma_semaphore, #tpu.memory_space<semaphore_mem>>)
    %scan3A = arith.constant 0 : i32
    %scan3A_14 = arith.constant 0 : i32
    %scan3A_15 = arith.constant 17 : i32
    %scan3A_16 = arith.addi %scan3A_14, %scan3A_15 : i32
    %scan3A_17 = arith.constant 1 : i32
    scf.for %scan3A_26 = %scan3A_14 to %scan3A_16 step %scan3A_17  : i32 {
      %mul3A_27 = arith.constant 3 : i32
      %mul3A_28 = arith.muli %scan3A_26, %mul3A_27 : i32
      %add3A_29 = arith.constant 0 : i32
      %add3A_30 = arith.addi %mul3A_28, %add3A_29 : i32
      %lt3A = arith.constant 50 : i32
      %lt3A_31 = arith.cmpi slt, %add3A_30, %lt3A : i32
      %convert_element_type3A = arith.extui %lt3A_31 : i1 to i32
      %cond3A = arith.constant 0 : i32
      %cond3A_32 = arith.cmpi ne, %convert_element_type3A, %cond3A : i32
      scf.if %cond3A_32 {
        %mul3A_94 = arith.constant 128 : i32
        %mul3A_95 = arith.muli %add3A_30, %mul3A_94 : i32
        %dma_wait3A_96 = tpu.memref_slice %arg5[%mul3A_95] : memref<6400xi32, #tpu.memory_space<vmem>> -> memref<128xi32, #tpu.memory_space<vmem>>
        %dma_wait3A_97 = arith.constant 0 : i32
        %dma_wait3A_98 = arith.constant 0 : i32
        %dma_wait3A_99 = tpu.memref_slice %arg3[%dma_wait3A_97, %dma_wait3A_98] : memref<100000x256xf32, #tpu.memory_space<hbm>> -> memref<100000x256xf32, #tpu.memory_space<hbm>>
        tpu.wait_indirect_dma semaphore(%arg9 : memref<!tpu.dma_semaphore, #tpu.memory_space<semaphore_mem>>) src(%dma_wait3A_99 : memref<100000x256xf32, #tpu.memory_space<hbm>>) dst(%arg6 : memref<128x256xf32, #tpu.memory_space<vmem>>)
        %mul3A_100 = arith.constant 128 : i32
        %mul3A_101 = arith.muli %add3A_30, %mul3A_100 : i32
        %add3A_102 = arith.addi %mul3A_2, %mul3A_101 : i32
        %dma_start3A_103 = tpu.memref_reshape %arg4 : memref<1024x50x4x256xf32, #tpu.memory_space<hbm>> -> memref<204800x256xf32, #tpu.memory_space<hbm>>
        %dma_start3A_104 = arith.constant 0 : i32
        %dma_start3A_105 = tpu.memref_slice %dma_start3A_103[%add3A_102, %dma_start3A_104] : memref<204800x256xf32, #tpu.memory_space<hbm>> -> memref<128x256xf32, #tpu.memory_space<hbm>>
        %dma_start3A_106 = tpu.memref_reshape %arg4 : memref<1024x50x4x256xf32, #tpu.memory_space<hbm>> -> memref<204800x256xf32, #tpu.memory_space<hbm>>
        %dma_start3A_107 = arith.constant 0 : i32
        %dma_start3A_108 = tpu.memref_slice %dma_start3A_106[%add3A_102, %dma_start3A_107] : memref<204800x256xf32, #tpu.memory_space<hbm>> -> memref<128x256xf32, #tpu.memory_space<hbm>>
        tpu.enqueue_dma source(%arg6 : memref<128x256xf32, #tpu.memory_space<vmem>>) target(%dma_start3A_108 : memref<128x256xf32, #tpu.memory_space<hbm>>) target_semaphore(%arg12 : memref<!tpu.dma_semaphore, #tpu.memory_space<semaphore_mem>>)
      } else {
      }
      %ge3A = arith.constant 1 : i32
      %ge3A_33 = arith.cmpi sge, %add3A_30, %ge3A : i32
      %lt3A_34 = arith.constant 50 : i32
      %lt3A_35 = arith.cmpi slt, %add3A_30, %lt3A_34 : i32
      %and3A = arith.andi %ge3A_33, %lt3A_35 : i1
      %convert_element_type3A_36 = arith.extui %and3A : i1 to i32
      %cond3A_37 = arith.constant 0 : i32
      %cond3A_38 = arith.cmpi ne, %convert_element_type3A_36, %cond3A_37 : i32
      scf.if %cond3A_38 {
        %sub3A = arith.constant 1 : i32
        %sub3A_94 = arith.subi %add3A_30, %sub3A : i32
        %mul3A_95 = arith.constant 128 : i32
        %mul3A_96 = arith.muli %sub3A_94, %mul3A_95 : i32
        %add3A_97 = arith.addi %mul3A_2, %mul3A_96 : i32
        %dma_wait3A_98 = tpu.memref_reshape %arg4 : memref<1024x50x4x256xf32, #tpu.memory_space<hbm>> -> memref<204800x256xf32, #tpu.memory_space<hbm>>
        %dma_wait3A_99 = arith.constant 0 : i32
        %dma_wait3A_100 = tpu.memref_slice %dma_wait3A_98[%add3A_97, %dma_wait3A_99] : memref<204800x256xf32, #tpu.memory_space<hbm>> -> memref<128x256xf32, #tpu.memory_space<hbm>>
        %dma_wait3A_101 = tpu.memref_reshape %arg4 : memref<1024x50x4x256xf32, #tpu.memory_space<hbm>> -> memref<204800x256xf32, #tpu.memory_space<hbm>>
        %dma_wait3A_102 = arith.constant 0 : i32
        %dma_wait3A_103 = tpu.memref_slice %dma_wait3A_101[%add3A_97, %dma_wait3A_102] : memref<204800x256xf32, #tpu.memory_space<hbm>> -> memref<128x256xf32, #tpu.memory_space<hbm>>
        tpu.wait_dma2 semaphore(%arg14 : memref<!tpu.dma_semaphore, #tpu.memory_space<semaphore_mem>>) src(%arg8 : memref<128x256xf32, #tpu.memory_space<vmem>>) dst(%dma_wait3A_103 : memref<128x256xf32, #tpu.memory_space<hbm>>)
      } else {
      }
      %add3A_39 = arith.constant 2 : i32
      %add3A_40 = arith.addi %add3A_30, %add3A_39 : i32
      %lt3A_41 = arith.constant 50 : i32
      %lt3A_42 = arith.cmpi slt, %add3A_40, %lt3A_41 : i32
      %convert_element_type3A_43 = arith.extui %lt3A_42 : i1 to i32
      %cond3A_44 = arith.constant 0 : i32
      %cond3A_45 = arith.cmpi ne, %convert_element_type3A_43, %cond3A_44 : i32
      scf.if %cond3A_45 {
        %add3A_94 = arith.constant 2 : i32
        %add3A_95 = arith.addi %add3A_30, %add3A_94 : i32
        %mul3A_96 = arith.constant 128 : i32
        %mul3A_97 = arith.muli %add3A_95, %mul3A_96 : i32
        %dma_start3A_98 = tpu.memref_slice %arg5[%mul3A_97] : memref<6400xi32, #tpu.memory_space<vmem>> -> memref<128xi32, #tpu.memory_space<vmem>>
        %dma_start3A_99 = arith.constant 0 : i32
        %dma_start3A_100 = arith.constant 0 : i32
        %dma_start3A_101 = tpu.memref_slice %arg3[%dma_start3A_99, %dma_start3A_100] : memref<100000x256xf32, #tpu.memory_space<hbm>> -> memref<100000x256xf32, #tpu.memory_space<hbm>>
        tpu.enqueue_indirect_dma source(%dma_start3A_101 : memref<100000x256xf32, #tpu.memory_space<hbm>>) target(%arg8 : memref<128x256xf32, #tpu.memory_space<vmem>>) offsets(%dma_start3A_98 : memref<128xi32, #tpu.memory_space<vmem>>) semaphore(%arg11 : memref<!tpu.dma_semaphore, #tpu.memory_space<semaphore_mem>>)
      } else {
      }
      %mul3A_46 = arith.constant 3 : i32
      %mul3A_47 = arith.muli %scan3A_26, %mul3A_46 : i32
      %add3A_48 = arith.constant 1 : i32
      %add3A_49 = arith.addi %mul3A_47, %add3A_48 : i32
      %lt3A_50 = arith.constant 50 : i32
      %lt3A_51 = arith.cmpi slt, %add3A_49, %lt3A_50 : i32
      %convert_element_type3A_52 = arith.extui %lt3A_51 : i1 to i32
      %cond3A_53 = arith.constant 0 : i32
      %cond3A_54 = arith.cmpi ne, %convert_element_type3A_52, %cond3A_53 : i32
      scf.if %cond3A_54 {
        %mul3A_94 = arith.constant 128 : i32
        %mul3A_95 = arith.muli %add3A_49, %mul3A_94 : i32
        %dma_wait3A_96 = tpu.memref_slice %arg5[%mul3A_95] : memref<6400xi32, #tpu.memory_space<vmem>> -> memref<128xi32, #tpu.memory_space<vmem>>
        %dma_wait3A_97 = arith.constant 0 : i32
        %dma_wait3A_98 = arith.constant 0 : i32
        %dma_wait3A_99 = tpu.memref_slice %arg3[%dma_wait3A_97, %dma_wait3A_98] : memref<100000x256xf32, #tpu.memory_space<hbm>> -> memref<100000x256xf32, #tpu.memory_space<hbm>>
        tpu.wait_indirect_dma semaphore(%arg10 : memref<!tpu.dma_semaphore, #tpu.memory_space<semaphore_mem>>) src(%dma_wait3A_99 : memref<100000x256xf32, #tpu.memory_space<hbm>>) dst(%arg7 : memref<128x256xf32, #tpu.memory_space<vmem>>)
        %mul3A_100 = arith.constant 128 : i32
        %mul3A_101 = arith.muli %add3A_49, %mul3A_100 : i32
        %add3A_102 = arith.addi %mul3A_2, %mul3A_101 : i32
        %dma_start3A_103 = tpu.memref_reshape %arg4 : memref<1024x50x4x256xf32, #tpu.memory_space<hbm>> -> memref<204800x256xf32, #tpu.memory_space<hbm>>
        %dma_start3A_104 = arith.constant 0 : i32
        %dma_start3A_105 = tpu.memref_slice %dma_start3A_103[%add3A_102, %dma_start3A_104] : memref<204800x256xf32, #tpu.memory_space<hbm>> -> memref<128x256xf32, #tpu.memory_space<hbm>>
        %dma_start3A_106 = tpu.memref_reshape %arg4 : memref<1024x50x4x256xf32, #tpu.memory_space<hbm>> -> memref<204800x256xf32, #tpu.memory_space<hbm>>
        %dma_start3A_107 = arith.constant 0 : i32
        %dma_start3A_108 = tpu.memref_slice %dma_start3A_106[%add3A_102, %dma_start3A_107] : memref<204800x256xf32, #tpu.memory_space<hbm>> -> memref<128x256xf32, #tpu.memory_space<hbm>>
        tpu.enqueue_dma source(%arg7 : memref<128x256xf32, #tpu.memory_space<vmem>>) target(%dma_start3A_108 : memref<128x256xf32, #tpu.memory_space<hbm>>) target_semaphore(%arg13 : memref<!tpu.dma_semaphore, #tpu.memory_space<semaphore_mem>>)
      } else {
      }
      %ge3A_55 = arith.constant 1 : i32
      %ge3A_56 = arith.cmpi sge, %add3A_49, %ge3A_55 : i32
      %lt3A_57 = arith.constant 50 : i32
      %lt3A_58 = arith.cmpi slt, %add3A_49, %lt3A_57 : i32
      %and3A_59 = arith.andi %ge3A_56, %lt3A_58 : i1
      %convert_element_type3A_60 = arith.extui %and3A_59 : i1 to i32
      %cond3A_61 = arith.constant 0 : i32
      %cond3A_62 = arith.cmpi ne, %convert_element_type3A_60, %cond3A_61 : i32
      scf.if %cond3A_62 {
        %sub3A = arith.constant 1 : i32
        %sub3A_94 = arith.subi %add3A_49, %sub3A : i32
        %mul3A_95 = arith.constant 128 : i32
        %mul3A_96 = arith.muli %sub3A_94, %mul3A_95 : i32
        %add3A_97 = arith.addi %mul3A_2, %mul3A_96 : i32
        %dma_wait3A_98 = tpu.memref_reshape %arg4 : memref<1024x50x4x256xf32, #tpu.memory_space<hbm>> -> memref<204800x256xf32, #tpu.memory_space<hbm>>
        %dma_wait3A_99 = arith.constant 0 : i32
        %dma_wait3A_100 = tpu.memref_slice %dma_wait3A_98[%add3A_97, %dma_wait3A_99] : memref<204800x256xf32, #tpu.memory_space<hbm>> -> memref<128x256xf32, #tpu.memory_space<hbm>>
        %dma_wait3A_101 = tpu.memref_reshape %arg4 : memref<1024x50x4x256xf32, #tpu.memory_space<hbm>> -> memref<204800x256xf32, #tpu.memory_space<hbm>>
        %dma_wait3A_102 = arith.constant 0 : i32
        %dma_wait3A_103 = tpu.memref_slice %dma_wait3A_101[%add3A_97, %dma_wait3A_102] : memref<204800x256xf32, #tpu.memory_space<hbm>> -> memref<128x256xf32, #tpu.memory_space<hbm>>
        tpu.wait_dma2 semaphore(%arg12 : memref<!tpu.dma_semaphore, #tpu.memory_space<semaphore_mem>>) src(%arg6 : memref<128x256xf32, #tpu.memory_space<vmem>>) dst(%dma_wait3A_103 : memref<128x256xf32, #tpu.memory_space<hbm>>)
      } else {
      }
      %add3A_63 = arith.constant 2 : i32
      %add3A_64 = arith.addi %add3A_49, %add3A_63 : i32
      %lt3A_65 = arith.constant 50 : i32
      %lt3A_66 = arith.cmpi slt, %add3A_64, %lt3A_65 : i32
      %convert_element_type3A_67 = arith.extui %lt3A_66 : i1 to i32
      %cond3A_68 = arith.constant 0 : i32
      %cond3A_69 = arith.cmpi ne, %convert_element_type3A_67, %cond3A_68 : i32
      scf.if %cond3A_69 {
        %add3A_94 = arith.constant 2 : i32
        %add3A_95 = arith.addi %add3A_49, %add3A_94 : i32
        %mul3A_96 = arith.constant 128 : i32
        %mul3A_97 = arith.muli %add3A_95, %mul3A_96 : i32
        %dma_start3A_98 = tpu.memref_slice %arg5[%mul3A_97] : memref<6400xi32, #tpu.memory_space<vmem>> -> memref<128xi32, #tpu.memory_space<vmem>>
        %dma_start3A_99 = arith.constant 0 : i32
        %dma_start3A_100 = arith.constant 0 : i32
        %dma_start3A_101 = tpu.memref_slice %arg3[%dma_start3A_99, %dma_start3A_100] : memref<100000x256xf32, #tpu.memory_space<hbm>> -> memref<100000x256xf32, #tpu.memory_space<hbm>>
        tpu.enqueue_indirect_dma source(%dma_start3A_101 : memref<100000x256xf32, #tpu.memory_space<hbm>>) target(%arg6 : memref<128x256xf32, #tpu.memory_space<vmem>>) offsets(%dma_start3A_98 : memref<128xi32, #tpu.memory_space<vmem>>) semaphore(%arg9 : memref<!tpu.dma_semaphore, #tpu.memory_space<semaphore_mem>>)
      } else {
      }
      %mul3A_70 = arith.constant 3 : i32
      %mul3A_71 = arith.muli %scan3A_26, %mul3A_70 : i32
      %add3A_72 = arith.constant 2 : i32
      %add3A_73 = arith.addi %mul3A_71, %add3A_72 : i32
      %lt3A_74 = arith.constant 50 : i32
      %lt3A_75 = arith.cmpi slt, %add3A_73, %lt3A_74 : i32
      %convert_element_type3A_76 = arith.extui %lt3A_75 : i1 to i32
      %cond3A_77 = arith.constant 0 : i32
      %cond3A_78 = arith.cmpi ne, %convert_element_type3A_76, %cond3A_77 : i32
      scf.if %cond3A_78 {
        %mul3A_94 = arith.constant 128 : i32
        %mul3A_95 = arith.muli %add3A_73, %mul3A_94 : i32
        %dma_wait3A_96 = tpu.memref_slice %arg5[%mul3A_95] : memref<6400xi32, #tpu.memory_space<vmem>> -> memref<128xi32, #tpu.memory_space<vmem>>
        %dma_wait3A_97 = arith.constant 0 : i32
        %dma_wait3A_98 = arith.constant 0 : i32
        %dma_wait3A_99 = tpu.memref_slice %arg3[%dma_wait3A_97, %dma_wait3A_98] : memref<100000x256xf32, #tpu.memory_space<hbm>> -> memref<100000x256xf32, #tpu.memory_space<hbm>>
        tpu.wait_indirect_dma semaphore(%arg11 : memref<!tpu.dma_semaphore, #tpu.memory_space<semaphore_mem>>) src(%dma_wait3A_99 : memref<100000x256xf32, #tpu.memory_space<hbm>>) dst(%arg8 : memref<128x256xf32, #tpu.memory_space<vmem>>)
        %mul3A_100 = arith.constant 128 : i32
        %mul3A_101 = arith.muli %add3A_73, %mul3A_100 : i32
        %add3A_102 = arith.addi %mul3A_2, %mul3A_101 : i32
        %dma_start3A_103 = tpu.memref_reshape %arg4 : memref<1024x50x4x256xf32, #tpu.memory_space<hbm>> -> memref<204800x256xf32, #tpu.memory_space<hbm>>
        %dma_start3A_104 = arith.constant 0 : i32
        %dma_start3A_105 = tpu.memref_slice %dma_start3A_103[%add3A_102, %dma_start3A_104] : memref<204800x256xf32, #tpu.memory_space<hbm>> -> memref<128x256xf32, #tpu.memory_space<hbm>>
        %dma_start3A_106 = tpu.memref_reshape %arg4 : memref<1024x50x4x256xf32, #tpu.memory_space<hbm>> -> memref<204800x256xf32, #tpu.memory_space<hbm>>
        %dma_start3A_107 = arith.constant 0 : i32
        %dma_start3A_108 = tpu.memref_slice %dma_start3A_106[%add3A_102, %dma_start3A_107] : memref<204800x256xf32, #tpu.memory_space<hbm>> -> memref<128x256xf32, #tpu.memory_space<hbm>>
        tpu.enqueue_dma source(%arg8 : memref<128x256xf32, #tpu.memory_space<vmem>>) target(%dma_start3A_108 : memref<128x256xf32, #tpu.memory_space<hbm>>) target_semaphore(%arg14 : memref<!tpu.dma_semaphore, #tpu.memory_space<semaphore_mem>>)
      } else {
      }
      %ge3A_79 = arith.constant 1 : i32
      %ge3A_80 = arith.cmpi sge, %add3A_73, %ge3A_79 : i32
      %lt3A_81 = arith.constant 50 : i32
      %lt3A_82 = arith.cmpi slt, %add3A_73, %lt3A_81 : i32
      %and3A_83 = arith.andi %ge3A_80, %lt3A_82 : i1
      %convert_element_type3A_84 = arith.extui %and3A_83 : i1 to i32
      %cond3A_85 = arith.constant 0 : i32
      %cond3A_86 = arith.cmpi ne, %convert_element_type3A_84, %cond3A_85 : i32
      scf.if %cond3A_86 {
        %sub3A = arith.constant 1 : i32
        %sub3A_94 = arith.subi %add3A_73, %sub3A : i32
        %mul3A_95 = arith.constant 128 : i32
        %mul3A_96 = arith.muli %sub3A_94, %mul3A_95 : i32
        %add3A_97 = arith.addi %mul3A_2, %mul3A_96 : i32
        %dma_wait3A_98 = tpu.memref_reshape %arg4 : memref<1024x50x4x256xf32, #tpu.memory_space<hbm>> -> memref<204800x256xf32, #tpu.memory_space<hbm>>
        %dma_wait3A_99 = arith.constant 0 : i32
        %dma_wait3A_100 = tpu.memref_slice %dma_wait3A_98[%add3A_97, %dma_wait3A_99] : memref<204800x256xf32, #tpu.memory_space<hbm>> -> memref<128x256xf32, #tpu.memory_space<hbm>>
        %dma_wait3A_101 = tpu.memref_reshape %arg4 : memref<1024x50x4x256xf32, #tpu.memory_space<hbm>> -> memref<204800x256xf32, #tpu.memory_space<hbm>>
        %dma_wait3A_102 = arith.constant 0 : i32
        %dma_wait3A_103 = tpu.memref_slice %dma_wait3A_101[%add3A_97, %dma_wait3A_102] : memref<204800x256xf32, #tpu.memory_space<hbm>> -> memref<128x256xf32, #tpu.memory_space<hbm>>
        tpu.wait_dma2 semaphore(%arg13 : memref<!tpu.dma_semaphore, #tpu.memory_space<semaphore_mem>>) src(%arg7 : memref<128x256xf32, #tpu.memory_space<vmem>>) dst(%dma_wait3A_103 : memref<128x256xf32, #tpu.memory_space<hbm>>)
      } else {
      }
      %add3A_87 = arith.constant 2 : i32
      %add3A_88 = arith.addi %add3A_73, %add3A_87 : i32
      %lt3A_89 = arith.constant 50 : i32
      %lt3A_90 = arith.cmpi slt, %add3A_88, %lt3A_89 : i32
      %convert_element_type3A_91 = arith.extui %lt3A_90 : i1 to i32
      %cond3A_92 = arith.constant 0 : i32
      %cond3A_93 = arith.cmpi ne, %convert_element_type3A_91, %cond3A_92 : i32
      scf.if %cond3A_93 {
        %add3A_94 = arith.constant 2 : i32
        %add3A_95 = arith.addi %add3A_73, %add3A_94 : i32
        %mul3A_96 = arith.constant 128 : i32
        %mul3A_97 = arith.muli %add3A_95, %mul3A_96 : i32
        %dma_start3A_98 = tpu.memref_slice %arg5[%mul3A_97] : memref<6400xi32, #tpu.memory_space<vmem>> -> memref<128xi32, #tpu.memory_space<vmem>>
        %dma_start3A_99 = arith.constant 0 : i32
        %dma_start3A_100 = arith.constant 0 : i32
        %dma_start3A_101 = tpu.memref_slice %arg3[%dma_start3A_99, %dma_start3A_100] : memref<100000x256xf32, #tpu.memory_space<hbm>> -> memref<100000x256xf32, #tpu.memory_space<hbm>>
        tpu.enqueue_indirect_dma source(%dma_start3A_101 : memref<100000x256xf32, #tpu.memory_space<hbm>>) target(%arg7 : memref<128x256xf32, #tpu.memory_space<vmem>>) offsets(%dma_start3A_98 : memref<128xi32, #tpu.memory_space<vmem>>) semaphore(%arg10 : memref<!tpu.dma_semaphore, #tpu.memory_space<semaphore_mem>>)
      } else {
      }
    }
    %scan3A_18 = arith.constant 17 : i32
    %add3A_19 = arith.constant 6272 : i32
    %add3A_20 = arith.addi %mul3A_2, %add3A_19 : i32
    %dma_wait3A = tpu.memref_reshape %arg4 : memref<1024x50x4x256xf32, #tpu.memory_space<hbm>> -> memref<204800x256xf32, #tpu.memory_space<hbm>>
    %dma_wait3A_21 = arith.constant 0 : i32
    %dma_wait3A_22 = tpu.memref_slice %dma_wait3A[%add3A_20, %dma_wait3A_21] : memref<204800x256xf32, #tpu.memory_space<hbm>> -> memref<128x256xf32, #tpu.memory_space<hbm>>
    %dma_wait3A_23 = tpu.memref_reshape %arg4 : memref<1024x50x4x256xf32, #tpu.memory_space<hbm>> -> memref<204800x256xf32, #tpu.memory_space<hbm>>
    %dma_wait3A_24 = arith.constant 0 : i32
    %dma_wait3A_25 = tpu.memref_slice %dma_wait3A_23[%add3A_20, %dma_wait3A_24] : memref<204800x256xf32, #tpu.memory_space<hbm>> -> memref<128x256xf32, #tpu.memory_space<hbm>>
    tpu.wait_dma2 semaphore(%arg13 : memref<!tpu.dma_semaphore, #tpu.memory_space<semaphore_mem>>) src(%arg7 : memref<128x256xf32, #tpu.memory_space<vmem>>) dst(%dma_wait3A_25 : memref<128x256xf32, #tpu.memory_space<hbm>>)
    return
  }
}

</mosaic_0001>

<sc_bundles>
// kernel: kernel.3.cloned.1.call-start
scs
__scs_entry_jumppad:
0x0: {  	(pc) =	sbr.rel $0x88, $3  }
0x1: {  	(tag) =	ssettag $0x0;
	lr =	simm.s32 $0x1  }
0x2: {  	[smem:$0x3F9F] =	sst lr;
	_ =	strace $0xD0000000  }
0x3: {  	_ = 	snop  }
0x4: {  	_ = 	snop  }
0x5: {  	_ = 	snop  }
0x6: {  	_ = 	snop  }
0x7: {  	_ = 	snop  }
__scs_overlays_trampoline_lowered:
0x8: {  	[smem:$0x3FAE] =	sst s0  }
0x9: {  	[smem:$0x3FAF] =	sst s1  }
0xa: {  	[smem:$0x3FB0] =	sst s2  }
0xb: {  	[smem:$0x3FB1] =	sst s3  }
0xc: {  	[smem:$0x3FB2] =	sst s4  }
0xd: {  	[smem:$0x3FB3] =	sst s5  }
0xe: {  	[smem:$0x3FB4] =	sst s6  }
0xf: {  	[smem:$0x3FB5] =	sst s7  }
0x10: {  	[smem:$0x3FB6] =	sst s8  }
0x11: {  	[smem:$0x3FB7] =	sst s9;
	s0 =	simm.s32 @!p0 $0x0  }
0x12: {  	s1 =	sld [smem:$0x3F9D];
	s0 =	simm.s32 @p0 $0x1  }
0x13: {  	[smem:$0x3FB8] =	sst s0;
	s0 =	simm.s32 @!p1 $0x0  }
0x14: {  	s2 =	sld [smem:$0x3F9C];
	s0 =	simm.s32 @p1 $0x1  }
0x15: {  	[smem:$0x3FB9] =	sst s0;
	s0 =	simm.s32 @!p2 $0x0  }
0x16: {  	s3 =	sld [smem:$0x3FDB];
	s0 =	simm.s32 @p2 $0x1  }
0x17: {  	s4 =	simm.s32 $0x1BF5;
	[smem:$0x3FBB] =	sst s0  }
0x18: {  	s0 =	sld [smem:$0x3F9E];
	_ =	swait.ge [sflag:s4], $0x0  }
0x19: {  	s7 =	sld [smem:$0x3F9F]  }
0x1a: {  	s8 =	sadd.s32 $0xFFFFE003, lr  }
0x1b: {  	s9 =	sadd.s32 $0xFFFFFEF7, lr;
	s5 =	simm.s32 $0xFFFFFFFF;
	p2 =	slt.u32 s8, $0xFFFFF086  }
0x1c: {  	p1 =	slt.u32 s9, $0xF7A;
	s5 =	simm.s32 @!p2 $0x0  }
0x1d: {  	s5 =	simm.s32 @p1 $0x1;
	p0 =	seq.s32 s7, s2  }
0x1e: {  	s7 =	smul.u32 @!p0 $0xF7A, s2;
	p2 =	seq.s32 @!p0 s5, $0x0  }
0x1f: {  	s9 =	smul.u32 $0xF7A, s1;
	s8 =	simm.s32 @!p0 $0x1BF5;
	p2 =	por !p2, p0  }
0x20: {  	[sflag:s8] =	ssyncset.s32 @!p0 $0xFFFFF086;
	s6 =	sadd.s32 @!p0 s3, s7;
	s7 =	simm.s32 @!p0 $0x108  }
0x21: {  	s3 =	sadd.s32 s3, s9;
	s6 =	sadd.s32 @!p0 $0x88, s6;
	s7 =	simm.s32 @p2 $0x1082  }
0x22: {  	[simem:s7], [sflag:s8] =	dma.local @!p0 [hbm:s6], $0xF7A  }
0x23: {  	s9 =	sor.u32 $0xD0000000, s2;
	s6 =	simm.s32 $0x108;
	_ =	swait.ge @!p0 [sflag:s8], $0x0  }
0x24: {  	s3 =	sadd.s32 $0x88, s3;
	s6 =	simm.s32 @!p1 $0x1082;
	[sflag:s4] =	ssyncset.s32 $0xFFFFF086  }
0x25: {  	[simem:s6], [sflag:s4] =	dma.local [hbm:s3], $0xF7A  }
0x26: {  	[smem:$0x3F9F] =	sst s1;
	(tag) =	ssettag s2;
	_ =	strace s9  }
0x27: {  	s1 =	sld [smem:$0x3FAF]  }
0x28: {  	s2 =	sld [smem:$0x3FB0]  }
0x29: {  	s4 =	sld [smem:$0x3FB2]  }
0x2a: {  	p0 =	seq.s32 s5, $0x0;
	s5 =	sld [smem:$0x3FB3]  }
0x2b: {  	s6 =	sld [smem:$0x3FB4]  }
0x2c: {  	s7 =	sld [smem:$0x3FB5]  }
0x2d: {  	s3 =	simm.s32 $0x108;
	s8 =	sld [smem:$0x3FB6]  }
0x2e: {  	s3 =	simm.s32 @!p0 $0x1082;
	s9 =	sld [smem:$0x3FB7]  }
0x2f: {  	lr =	sadd.s32 s0, s3;
	s0 =	sld [smem:$0x3FAE]  }
0x30: {  	s3 =	sld [smem:$0x3FB1]  }
0x31: {  	[smem:$0x3FBA] =	sst s10  }
0x32: {  	s10 =	sld [smem:$0x3FB8];
	_ =	sdelay $0x3  }
0x33: {  	p0 =	seq.s32 s10, $0x1;
	s10 =	sld [smem:$0x3FBA];
	_ =	sdelay $0x3  }
0x34: {  	[smem:$0x3FBA] =	sst s10  }
0x35: {  	s10 =	sld [smem:$0x3FB9];
	_ =	sdelay $0x3  }
0x36: {  	p1 =	seq.s32 s10, $0x1;
	s10 =	sld [smem:$0x3FBA];
	_ =	sdelay $0x3  }
0x37: {  	[smem:$0x3FBA] =	sst s10  }
0x38: {  	s10 =	sld [smem:$0x3FBB]  }
0x39: {  	_ = 	snop;
	(pc) =	sbr.ind lr, $3  }
0x3a: {  	_ = 	snop  }
0x3b: {  	_ = 	snop  }
0x3c: {  	p2 =	seq.s32 s10, $0x1;
	s10 =	sld [smem:$0x3FBA]  }
0x3d: {  	_ =	shalt  }
0x3e: {  	_ =	shalt  }
0x3f: {  	_ =	shalt  }
0x40: {  	_ =	shalt  }
0x41: {  	_ =	shalt  }
0x42: {  	_ =	shalt  }
0x43: {  	_ =	shalt  }
0x44: {  	_ =	shalt  }
0x45: {  	_ =	shalt  }
0x46: {  	_ =	shalt  }
0x47: {  	_ =	shalt  }
0x48: {  	_ =	shalt  }
0x49: {  	_ =	shalt  }
0x4a: {  	_ =	shalt  }
0x4b: {  	_ =	shalt  }
0x4c: {  	_ =	shalt  }
0x4d: {  	_ =	shalt  }
0x4e: {  	_ =	shalt  }
0x4f: {  	_ =	shalt  }
0x50: {  	_ =	shalt  }
0x51: {  	_ =	shalt  }
0x52: {  	_ =	shalt  }
0x53: {  	_ =	shalt  }
0x54: {  	_ =	shalt  }
0x55: {  	_ =	shalt  }
0x56: {  	_ =	shalt  }
0x57: {  	_ =	shalt  }
0x58: {  	_ =	shalt  }
0x59: {  	_ =	shalt  }
0x5a: {  	_ =	shalt  }
0x5b: {  	_ =	shalt  }
0x5c: {  	_ =	shalt  }
0x5d: {  	_ =	shalt  }
0x5e: {  	_ =	shalt  }
0x5f: {  	_ =	shalt  }
0x60: {  	_ =	shalt  }
0x61: {  	_ =	shalt  }
0x62: {  	_ =	shalt  }
0x63: {  	_ =	shalt  }
0x64: {  	_ =	shalt  }
0x65: {  	_ =	shalt  }
0x66: {  	_ =	shalt  }
0x67: {  	_ =	shalt  }
0x68: {  	_ =	shalt  }
0x69: {  	_ =	shalt  }
0x6a: {  	_ =	shalt  }
0x6b: {  	_ =	shalt  }
0x6c: {  	_ =	shalt  }
0x6d: {  	_ =	shalt  }
0x6e: {  	_ =	shalt  }
0x6f: {  	_ =	shalt  }
0x70: {  	_ =	shalt  }
0x71: {  	_ =	shalt  }
0x72: {  	_ =	shalt  }
0x73: {  	_ =	shalt  }
0x74: {  	_ =	shalt  }
0x75: {  	_ =	shalt  }
0x76: {  	_ =	shalt  }
0x77: {  	_ =	shalt  }
0x78: {  	_ =	shalt  }
0x79: {  	_ =	shalt  }
0x7a: {  	_ =	shalt  }
0x7b: {  	_ =	shalt  }
0x7c: {  	_ =	shalt  }
0x7d: {  	_ =	shalt  }
0x7e: {  	_ =	shalt  }
0x7f: {  	_ =	shalt  }
0x80: {  	_ =	shalt  }
0x81: {  	_ =	shalt  }
0x82: {  	_ =	shalt  }
0x83: {  	_ =	shalt  }
0x84: {  	_ =	shalt  }
0x85: {  	_ =	shalt  }
0x86: {  	_ =	shalt  }
0x87: {  	_ =	shalt  }
.Lfunc_end0:
.L_simem_size_0:
called_computation_lowered:
.L_overlay_start_0:
0x88: {  	s2 =	sld [smem:$0x3FD9]  }
0x89: {  	s3 =	sld [smem:$0x3FFE];
	_ =	sdelay $0x1  }
0x8a: {  	s1 =	srdreg.scid  }
0x8b: {  	s0 =	sand.u32 $0x1, s1  }
0x8c: {  	s17 =	sshll.u32 s0, $0xA;
	s2 =	sadd.s32 s3, s2  }
0x8d: {  	s2 =	sadd.s32 s2, s17  }
0x8e: {  	[smem:$0x3FC6] =	sst s2  }
0x8f: {  	_ = 	snop  }
0x90: {  	s2 =	sld [smem:$0x3FC8]  }
0x91: {  	s18 =	sld [smem:$0x3FD0];
	(tm) =	ssettm $0x1  }
0x92: {  	s4 =	sld [smem:$0x3FFB];
	_ =	sdelay $0x3  }
0x93: {  	_ =	strace s4  }
0x94: {  	s4 =	sld [smem:$0x3FFC];
	_ =	sdelay $0x3  }
0x95: {  	_ =	strace s4  }
0x96: {  	s4 =	sld [smem:$0x3FFD];
	_ =	sdelay $0x3  }
0x97: {  	_ =	strace s4  }
0x98: {  	_ =	strace $0x8FFFFFFF  }
0x99: {  	s19 =	sld [smem:$0x3FDB];
	_ =	sdelay $0x1  }
0x9a: {  	s5 =	simm.s32 $_scs_section_size  }
0x9b: {  	s6 =	simm.s32 $_size__tile_overlayer_lowered;
	s7 =	simm.s32 $_tile_overlayer_lowered  }
0x9c: {  	s22 =	simm.s32 $0x1BFF;
	s21 =	sshll.u32 s7, $0x1;
	s4 =	sadd.s32 s5, s19  }
0x9d: {  	s8 =	simm.s32 $0x0;
	s20 =	sshll.u32 s6, $0x1;
	s6 =	sadd.s32 s21, s4  }
0x9e: {  	[timem:s8], [sflag:s22] =	dma.local [hbm:s6], s20  }
0x9f: {  	_ =	swait.ge [sflag:s22], s20  }
0xa0: {  	s5 =	ssub.s32 $0x0, s20;
	[sflag:s22] =	ssyncset.done $0x0  }
0xa1: {  	[sflag:s22] =	ssyncadd.s32 s5;
	_ =	sdelay $0x1  }
0xa2: {  	s23 =	simm.s32 $0x1B8B  }
0xa3: {  	_ =	swait.ge [sflag:s23], $0x1  }
0xa4: {  	[sflag:s23] =	ssyncset.done $0x0  }
0xa5: {  	s25 =	simm.s32 $0x1B8E;
	s24 =	sld [smem:$0x3FFE];
	[sflag:s23] =	ssyncadd.s32 $0xFFFFFFFF  }
0xa6: {  	s26 =	simm.s32 $execute0_lowered;
	[smem:$0x3FD2] =	sst s25  }
0xa7: {  	s6 =	sshll.u32 s26, $0x1;
	_ =	strace $0x80000046;
	[dreg:$0x1] =	wrdreg $0xFFFFFFFF  }
0xa8: {  	s28 =	simm.s32 $_size_execute0_lowered;
	s4 =	sadd.s32 s4, s6;
	[dreg:$0x0] =	wrdreg $0x0  }
0xa9: {  	s6 =	sshll.u32 s28, $0x1;
	[dreg:$0x2] =	wrdreg s4  }
0xaa: {  	[dreg:$0x3] =	wrdreg s6  }
0xab: {  	[dreg:$0x4] =	wrdreg $0xC0  }
0xac: {  	_ =	task [dreg:s8], $0x5FFFF  }
0xad: {  	[dreg:$0x1] =	wrdreg $0xFFFFFFFF  }
0xae: {  	[dreg:$0x0] =	wrdreg $0x60  }
0xaf: {  	[dreg:$0x2] =	wrdreg s24  }
0xb0: {  	[dreg:$0x3] =	wrdreg s2  }
0xb1: {  	[dreg:$0x4] =	wrdreg s18  }
0xb2: {  	[dreg:$0x5] =	wrdreg $0x9  }
0xb3: {  	_ =	task.clear_ibuf [dreg:s8], $0x6FFFF;
	_ =	strace $0x90000046  }
0xb4: {  	s29 =	simm.s32 $0x9;
	_ =	strace $0x80000048  }
0xb5: {  	_ =	swait.ge [sflag:s29], $0x1  }
0xb6: {  	[sflag:s29] =	ssyncadd.s32 $0xFFFFFFFF  }
0xb7: {  	_ =	strace $0x90000048  }
0xb8: {  	_ =	sfence  }
0xb9: {  	s30 =	sld [smem:$0x0];
	_ =	sdelay $0x2  }
0xba: {  	s31 =	sshll.u32 s1, $0xD;
	s1 =	sshrl.u32 s1, $0x2  }
0xbb: {  	s3 =	sand.u32 $0x4000, s31;
	s1 =	sadd.s32 s1, s30  }
0xbc: {  	s0 =	sor.u32 s3, s0;
	s1 =	sshll.u32 s1, $0x11  }
0xbd: {  	s0 =	sor.u32 s1, s0  }
0xbe: {  	s0 =	sadd.s32 $0x8F2B, s0  }
0xbf: {  	[sflag:s0] =	ssyncadd.remote.s32 $0x1  }
0xc0: {  	_ =	sfence.sel $0xFFFF  }
0xc1: {  	[dreg:$0x0] =	wrdreg $0xFFFFFFFF;
	(pc) =	sbr.abs _section_cstart, $3  }
0xc2: {  	[dreg:$0x1] =	wrdreg $0xFFFFFFFF  }
0xc3: {  	_ =	task.clear_ibuf [dreg:s8], $0x2FFFF;
	_ =	strace $0x9FFFFFFF  }
0xc4: {  	(tm) =	ssettm $0x7FFFFFFF  }
0xc5: {  	_ =	shalt  }
tec
execute0_lowered:
.L_overlay_start_1:
0x0: {  	(tag) =	ssettag $0x1  }
0x1: {  	s0 =	rddreg [dreg:$0x0];
	s1 =	srdreg.scid  }
0x2: {  	s3 =	stileid.u32;
	s2 =	rddreg [dreg:$0x1]  }
0x3: {  	s9 =	simm.s32 $0xD100;
	s10 =	simm.s32 $0xD900;
	s11 =	simm.s32 $0xE100  }
0x4: {  	s12 =	simm.s32 $0xE900;
	s13 =	simm.s32 $0xF100;
	s14 =	simm.s32 $0xF900  }
0x5: {  	s15 =	simm.s32 $0x10100;
	s16 =	simm.s32 $0x10900;
	s17 =	simm.s32 $0x11100  }
0x6: {  	s18 =	simm.s32 $0x1;
	s19 =	simm.s32 $0x200;
	s20 =	simm.s32 $0x400  }
0x7: {  	s21 =	simm.s32 $0x2;
	s22 =	simm.s32 $0x4;
	s23 =	simm.s32 $0x5  }
0x8: {  	s24 =	simm.s32 $0x3;
	s1 =	sand.u32 $0x1, s1;
	s4 =	sshll.u32 s3, $0x1  }
0x9: {  	s25 =	simm.s32 $0x0;
	s3 =	rddreg [dreg:$0x2];
	s6 =	sor.u32 s1, s4  }
0xa: {  	s4 =	simm.s32 $0x0;
	s1 =	ssub.s32 $0x2, s1;
	s5 =	smul.u32 $0x1900, s6  }
.Ltmp0:
0xb: {  	[smem:$0x7FF] =	sst s4;
	s8 =	sshrl.u32 s1, $0x1;
	(pc) =	sbr.rel .LBB2_1-.Ltmp0, $4  }
0xc: {  	s6 =	smul.u32 $0x190000, s6;
	s1 =	ssub.s32 s1, s8;
	s7 =	sshrl.u32 s5, $0x3  }
0xd: {  	v2 =	vlaneseq.u32;
	_ =	strace $0x80000047;
	s31 =	smax.u32 s1, $0x1;
	s0 =	sadd.s32 s7, s0  }
0xe: {  	vm0 =	vmmov $0xffff;
	v1 =	vshrl.u32 v2, $0x3;
	s8 =	sor.u32 $0x8000, s6;
	[dreg:$0x5] =	wrdreg s31;
	s0 =	sadd.s32 $0x400, s0  }
0xf: {  	v0 =	vand.u32 $0x7, v2;
	v2 =	vor.u32 $0x8, v2;
	v1 =	vmul.u32 $0x8, v1;
	s7 =	simm.s32 $0xC900;
	[dreg:$0x4] =	wrdreg s0;
	s0 =	simm.s32 $0xC100  }
.LBB2_12:
0x10: {  	_ =	swait.ge [sflag:s23], $0x8000  }
0x11: {  	s25 =	rddreg [dreg:$0x6]  }
0x12: {  	s1 =	rddreg [dreg:$0x5];
	s25 =	sadd.s32 $0x1, s25  }
0x13: {  	p0 =	sne.s32 s25, s1  }
.Ltmp1:
0x14: {  	_ = 	snop;
	(pc) =	sbr.rel @!p0 .LBB2_13-.Ltmp1, $3  }
0x15: {  	_ =	sdelay $0x1  }
0x16: {  	[sflag:s23] =	ssyncset.done $0x0  }
0x17: {  	[sflag:s23] =	ssyncadd.s32 $0xFFFF8000  }
.LBB2_1:
0x18: {  	[dreg:$0x6] =	wrdreg s25  }
0x19: {  	s1 =	rddreg [dreg:$0x4];
	s28 =	simm.s32 $0x7  }
0x1a: {  	[tilespmem:s4], [sflag:$0x7] =	stream.linear.gather [hbm4b:s1+s4], $0x1900, $0x38;
	[tilespmem:$0x19900] =	vst v63  }
0x1b: {  	_ =	swait.ge [sflag:s28], $0x1900  }
0x1c: {  	[sflag:s28] =	ssyncset.done $0x0  }
0x1d: {  	[sflag:s28] =	ssyncadd.s32 $0xFFFFE700  }
0x1e: {  	v3 =	vld [tilespmem:$0x0];
	_ =	sdelay $0x4  }
0x1f: {  	v4 =	vshll.u32 v3, $0x1  }
0x20: {  	v3 =	vand.u32 $0x7, v3;
	v4 =	vand.u32 $0xFFFFFFF0, v4  }
0x21: {  	v3 =	vor.u32 v3, v4  }
0x22: {  	v4 =	vperm.xlane v3, v0;
	_ =	sdelay $0x1  }
0x23: {  	v3 =	vperm.xlane v3, v2;
	v4 =	vadd.s32 v1, v4;
	_ =	sdelay $0x1  }
0x24: {  	v3 =	vadd.s32 v1, v3;
	_ =	sdelay $0x1  }
0x25: {  	s29 =	simm.s32 $0x1900  }
0x26: {  	[tilespmem:s29], [sflag:$0x1] =	stream.indirect_vreg.gather [hbm4b:s2+s4], $0x80, v4, vm0, $0xb8;
	[tilespmem:$0x19900] =	vst v63  }
0x27: {  	s30 =	simm.s32 $0x2100  }
0x28: {  	[tilespmem:s30], [sflag:$0x1] =	stream.indirect_vreg.gather [hbm4b:s2+s4], $0x80, v3, vm0, $0xb8;
	[tilespmem:$0x19900] =	vst v63  }
0x29: {  	v3 =	vld [tilespmem:$0x10];
	_ =	sdelay $0x4  }
0x2a: {  	v49 =	vshll.u32 v3, $0x1  }
0x2b: {  	v3 =	vand.u32 $0x7, v3;
	v4 =	vand.u32 $0xFFFFFFF0, v49  }
0x2c: {  	v3 =	vor.u32 v3, v4  }
0x2d: {  	v4 =	vperm.xlane v3, v0;
	_ =	sdelay $0x1  }
0x2e: {  	v3 =	vperm.xlane v3, v2;
	v4 =	vadd.s32 v1, v4;
	_ =	sdelay $0x1  }
0x2f: {  	v3 =	vadd.s32 v1, v3;
	_ =	sdelay $0x1  }
0x30: {  	s31 =	simm.s32 $0x2900  }
0x31: {  	[tilespmem:s31], [sflag:$0x1] =	stream.indirect_vreg.gather [hbm4b:s2+s4], $0x80, v4, vm0, $0xb8;
	[tilespmem:$0x19900] =	vst v63  }
0x32: {  	s25 =	simm.s32 $0x3100  }
0x33: {  	[tilespmem:s25], [sflag:$0x1] =	stream.indirect_vreg.gather [hbm4b:s2+s4], $0x80, v3, vm0, $0xb8;
	[tilespmem:$0x19900] =	vst v63  }
0x34: {  	v3 =	vld [tilespmem:$0x20];
	_ =	sdelay $0x4  }
0x35: {  	v50 =	vshll.u32 v3, $0x1  }
0x36: {  	v3 =	vand.u32 $0x7, v3;
	v4 =	vand.u32 $0xFFFFFFF0, v50  }
0x37: {  	v3 =	vor.u32 v3, v4  }
0x38: {  	v4 =	vperm.xlane v3, v0;
	_ =	sdelay $0x1  }
0x39: {  	v3 =	vperm.xlane v3, v2;
	v4 =	vadd.s32 v1, v4;
	_ =	sdelay $0x1  }
0x3a: {  	v3 =	vadd.s32 v1, v3;
	_ =	sdelay $0x1  }
0x3b: {  	s26 =	simm.s32 $0x3900  }
0x3c: {  	[tilespmem:s26], [sflag:$0x1] =	stream.indirect_vreg.gather [hbm4b:s2+s4], $0x80, v4, vm0, $0xb8;
	[tilespmem:$0x19900] =	vst v63  }
0x3d: {  	s28 =	simm.s32 $0x4100  }
0x3e: {  	[tilespmem:s28], [sflag:$0x1] =	stream.indirect_vreg.gather [hbm4b:s2+s4], $0x80, v3, vm0, $0xb8;
	[tilespmem:$0x19900] =	vst v63  }
0x3f: {  	v3 =	vld [tilespmem:$0x30];
	_ =	sdelay $0x4  }
0x40: {  	v51 =	vshll.u32 v3, $0x1  }
0x41: {  	v3 =	vand.u32 $0x7, v3;
	v4 =	vand.u32 $0xFFFFFFF0, v51  }
0x42: {  	v3 =	vor.u32 v3, v4  }
0x43: {  	v4 =	vperm.xlane v3, v0;
	_ =	sdelay $0x1  }
0x44: {  	v3 =	vperm.xlane v3, v2;
	v4 =	vadd.s32 v1, v4;
	_ =	sdelay $0x1  }
0x45: {  	v3 =	vadd.s32 v1, v3;
	_ =	sdelay $0x1  }
0x46: {  	s29 =	simm.s32 $0x4900  }
0x47: {  	[tilespmem:s29], [sflag:$0x1] =	stream.indirect_vreg.gather [hbm4b:s2+s4], $0x80, v4, vm0, $0xb8;
	[tilespmem:$0x19900] =	vst v63  }
0x48: {  	s30 =	simm.s32 $0x5100  }
0x49: {  	[tilespmem:s30], [sflag:$0x1] =	stream.indirect_vreg.gather [hbm4b:s2+s4], $0x80, v3, vm0, $0xb8;
	[tilespmem:$0x19900] =	vst v63  }
0x4a: {  	v3 =	vld [tilespmem:$0x40];
	_ =	sdelay $0x4  }
0x4b: {  	v52 =	vshll.u32 v3, $0x1  }
0x4c: {  	v3 =	vand.u32 $0x7, v3;
	v4 =	vand.u32 $0xFFFFFFF0, v52  }
0x4d: {  	v3 =	vor.u32 v3, v4  }
0x4e: {  	v4 =	vperm.xlane v3, v0;
	_ =	sdelay $0x1  }
0x4f: {  	v3 =	vperm.xlane v3, v2;
	v4 =	vadd.s32 v1, v4;
	_ =	sdelay $0x1  }
0x50: {  	v3 =	vadd.s32 v1, v3;
	_ =	sdelay $0x1  }
0x51: {  	s31 =	simm.s32 $0x5900  }
0x52: {  	[tilespmem:s31], [sflag:$0x1] =	stream.indirect_vreg.gather [hbm4b:s2+s4], $0x80, v4, vm0, $0xb8;
	[tilespmem:$0x19900] =	vst v63  }
0x53: {  	s25 =	simm.s32 $0x6100  }
0x54: {  	[tilespmem:s25], [sflag:$0x1] =	stream.indirect_vreg.gather [hbm4b:s2+s4], $0x80, v3, vm0, $0xb8;
	[tilespmem:$0x19900] =	vst v63  }
0x55: {  	v3 =	vld [tilespmem:$0x50];
	_ =	sdelay $0x4  }
0x56: {  	v53 =	vshll.u32 v3, $0x1  }
0x57: {  	v3 =	vand.u32 $0x7, v3;
	v4 =	vand.u32 $0xFFFFFFF0, v53  }
0x58: {  	v3 =	vor.u32 v3, v4  }
0x59: {  	v4 =	vperm.xlane v3, v0;
	_ =	sdelay $0x1  }
0x5a: {  	v3 =	vperm.xlane v3, v2;
	v4 =	vadd.s32 v1, v4;
	_ =	sdelay $0x1  }
0x5b: {  	v3 =	vadd.s32 v1, v3;
	_ =	sdelay $0x1  }
0x5c: {  	s26 =	simm.s32 $0x6900  }
0x5d: {  	[tilespmem:s26], [sflag:$0x1] =	stream.indirect_vreg.gather [hbm4b:s2+s4], $0x80, v4, vm0, $0xb8;
	[tilespmem:$0x19900] =	vst v63  }
0x5e: {  	s28 =	simm.s32 $0x7100  }
0x5f: {  	[tilespmem:s28], [sflag:$0x1] =	stream.indirect_vreg.gather [hbm4b:s2+s4], $0x80, v3, vm0, $0xb8;
	[tilespmem:$0x19900] =	vst v63  }
0x60: {  	v3 =	vld [tilespmem:$0x60];
	_ =	sdelay $0x4  }
0x61: {  	v54 =	vshll.u32 v3, $0x1  }
0x62: {  	v3 =	vand.u32 $0x7, v3;
	v4 =	vand.u32 $0xFFFFFFF0, v54  }
0x63: {  	v3 =	vor.u32 v3, v4  }
0x64: {  	v4 =	vperm.xlane v3, v0;
	_ =	sdelay $0x1  }
0x65: {  	v3 =	vperm.xlane v3, v2;
	v4 =	vadd.s32 v1, v4;
	_ =	sdelay $0x1  }
0x66: {  	v3 =	vadd.s32 v1, v3;
	_ =	sdelay $0x1  }
0x67: {  	s29 =	simm.s32 $0x7900  }
0x68: {  	[tilespmem:s29], [sflag:$0x1] =	stream.indirect_vreg.gather [hbm4b:s2+s4], $0x80, v4, vm0, $0xb8;
	[tilespmem:$0x19900] =	vst v63  }
0x69: {  	s30 =	simm.s32 $0x8100  }
0x6a: {  	[tilespmem:s30], [sflag:$0x1] =	stream.indirect_vreg.gather [hbm4b:s2+s4], $0x80, v3, vm0, $0xb8;
	[tilespmem:$0x19900] =	vst v63  }
0x6b: {  	v3 =	vld [tilespmem:$0x70];
	_ =	sdelay $0x4  }
0x6c: {  	v55 =	vshll.u32 v3, $0x1  }
0x6d: {  	v3 =	vand.u32 $0x7, v3;
	v4 =	vand.u32 $0xFFFFFFF0, v55  }
0x6e: {  	v3 =	vor.u32 v3, v4  }
0x6f: {  	v4 =	vperm.xlane v3, v0;
	_ =	sdelay $0x1  }
0x70: {  	v3 =	vperm.xlane v3, v2;
	v4 =	vadd.s32 v1, v4;
	_ =	sdelay $0x1  }
0x71: {  	v3 =	vadd.s32 v1, v3;
	_ =	sdelay $0x1  }
0x72: {  	s31 =	simm.s32 $0x8900  }
0x73: {  	[tilespmem:s31], [sflag:$0x1] =	stream.indirect_vreg.gather [hbm4b:s2+s4], $0x80, v4, vm0, $0xb8;
	[tilespmem:$0x19900] =	vst v63  }
0x74: {  	s25 =	simm.s32 $0x9100  }
0x75: {  	[tilespmem:s25], [sflag:$0x1] =	stream.indirect_vreg.gather [hbm4b:s2+s4], $0x80, v3, vm0, $0xb8;
	[tilespmem:$0x19900] =	vst v63  }
0x76: {  	v3 =	vld [tilespmem:$0x80];
	_ =	sdelay $0x4  }
0x77: {  	v56 =	vshll.u32 v3, $0x1  }
0x78: {  	v3 =	vand.u32 $0x7, v3;
	v4 =	vand.u32 $0xFFFFFFF0, v56  }
0x79: {  	v3 =	vor.u32 v3, v4  }
0x7a: {  	v4 =	vperm.xlane v3, v0;
	_ =	sdelay $0x1  }
0x7b: {  	v3 =	vperm.xlane v3, v2;
	v4 =	vadd.s32 v1, v4;
	_ =	sdelay $0x1  }
0x7c: {  	v3 =	vadd.s32 v1, v3;
	_ =	sdelay $0x1  }
0x7d: {  	s26 =	simm.s32 $0x9900  }
0x7e: {  	[tilespmem:s26], [sflag:$0x2] =	stream.indirect_vreg.gather [hbm4b:s2+s4], $0x80, v4, vm0, $0xb8;
	[tilespmem:$0x19900] =	vst v63  }
0x7f: {  	s28 =	simm.s32 $0xA100  }
0x80: {  	[tilespmem:s28], [sflag:$0x2] =	stream.indirect_vreg.gather [hbm4b:s2+s4], $0x80, v3, vm0, $0xb8;
	[tilespmem:$0x19900] =	vst v63  }
0x81: {  	v3 =	vld [tilespmem:$0x90];
	_ =	sdelay $0x4  }
0x82: {  	v57 =	vshll.u32 v3, $0x1  }
0x83: {  	v3 =	vand.u32 $0x7, v3;
	v4 =	vand.u32 $0xFFFFFFF0, v57  }
0x84: {  	v3 =	vor.u32 v3, v4  }
0x85: {  	v4 =	vperm.xlane v3, v0;
	_ =	sdelay $0x1  }
0x86: {  	v3 =	vperm.xlane v3, v2;
	v4 =	vadd.s32 v1, v4;
	_ =	sdelay $0x1  }
0x87: {  	v3 =	vadd.s32 v1, v3;
	_ =	sdelay $0x1  }
0x88: {  	s29 =	simm.s32 $0xA900  }
0x89: {  	[tilespmem:s29], [sflag:$0x2] =	stream.indirect_vreg.gather [hbm4b:s2+s4], $0x80, v4, vm0, $0xb8;
	[tilespmem:$0x19900] =	vst v63  }
0x8a: {  	s30 =	simm.s32 $0xB100  }
0x8b: {  	[tilespmem:s30], [sflag:$0x2] =	stream.indirect_vreg.gather [hbm4b:s2+s4], $0x80, v3, vm0, $0xb8;
	[tilespmem:$0x19900] =	vst v63  }
0x8c: {  	v3 =	vld [tilespmem:$0xA0];
	_ =	sdelay $0x4  }
0x8d: {  	v58 =	vshll.u32 v3, $0x1  }
0x8e: {  	v3 =	vand.u32 $0x7, v3;
	v4 =	vand.u32 $0xFFFFFFF0, v58  }
0x8f: {  	v3 =	vor.u32 v3, v4  }
0x90: {  	v4 =	vperm.xlane v3, v0;
	_ =	sdelay $0x1  }
0x91: {  	v3 =	vperm.xlane v3, v2;
	v4 =	vadd.s32 v1, v4;
	_ =	sdelay $0x1  }
0x92: {  	v3 =	vadd.s32 v1, v3;
	_ =	sdelay $0x1  }
0x93: {  	s31 =	simm.s32 $0xB900  }
0x94: {  	[tilespmem:s31], [sflag:$0x2] =	stream.indirect_vreg.gather [hbm4b:s2+s4], $0x80, v4, vm0, $0xb8;
	[tilespmem:$0x19900] =	vst v63  }
0x95: {  	_ = 	snop  }
0x96: {  	[tilespmem:s0], [sflag:$0x2] =	stream.indirect_vreg.gather [hbm4b:s2+s4], $0x80, v3, vm0, $0xb8;
	[tilespmem:$0x19900] =	vst v63  }
0x97: {  	v3 =	vld [tilespmem:$0xB0];
	_ =	sdelay $0x4  }
0x98: {  	v59 =	vshll.u32 v3, $0x1  }
0x99: {  	v3 =	vand.u32 $0x7, v3;
	v4 =	vand.u32 $0xFFFFFFF0, v59  }
0x9a: {  	v3 =	vor.u32 v3, v4  }
0x9b: {  	v4 =	vperm.xlane v3, v0;
	_ =	sdelay $0x1  }
0x9c: {  	v3 =	vperm.xlane v3, v2;
	v4 =	vadd.s32 v1, v4;
	_ =	sdelay $0x1  }
0x9d: {  	v3 =	vadd.s32 v1, v3;
	_ =	sdelay $0x2  }
0x9e: {  	[tilespmem:s7], [sflag:$0x2] =	stream.indirect_vreg.gather [hbm4b:s2+s4], $0x80, v4, vm0, $0xb8;
	[tilespmem:$0x19900] =	vst v63  }
0x9f: {  	_ = 	snop  }
0xa0: {  	[tilespmem:s9], [sflag:$0x2] =	stream.indirect_vreg.gather [hbm4b:s2+s4], $0x80, v3, vm0, $0xb8;
	[tilespmem:$0x19900] =	vst v63  }
0xa1: {  	v3 =	vld [tilespmem:$0xC0];
	_ =	sdelay $0x4  }
0xa2: {  	v60 =	vshll.u32 v3, $0x1  }
0xa3: {  	v3 =	vand.u32 $0x7, v3;
	v4 =	vand.u32 $0xFFFFFFF0, v60  }
0xa4: {  	v3 =	vor.u32 v3, v4  }
0xa5: {  	v4 =	vperm.xlane v3, v0;
	_ =	sdelay $0x1  }
0xa6: {  	v3 =	vperm.xlane v3, v2;
	v4 =	vadd.s32 v1, v4;
	_ =	sdelay $0x1  }
0xa7: {  	v3 =	vadd.s32 v1, v3;
	_ =	sdelay $0x2  }
0xa8: {  	[tilespmem:s10], [sflag:$0x2] =	stream.indirect_vreg.gather [hbm4b:s2+s4], $0x80, v4, vm0, $0xb8;
	[tilespmem:$0x19900] =	vst v63  }
0xa9: {  	_ = 	snop  }
0xaa: {  	[tilespmem:s11], [sflag:$0x2] =	stream.indirect_vreg.gather [hbm4b:s2+s4], $0x80, v3, vm0, $0xb8;
	[tilespmem:$0x19900] =	vst v63  }
0xab: {  	v3 =	vld [tilespmem:$0xD0];
	_ =	sdelay $0x4  }
0xac: {  	v61 =	vshll.u32 v3, $0x1  }
0xad: {  	v3 =	vand.u32 $0x7, v3;
	v4 =	vand.u32 $0xFFFFFFF0, v61  }
0xae: {  	v3 =	vor.u32 v3, v4  }
0xaf: {  	v4 =	vperm.xlane v3, v0;
	_ =	sdelay $0x1  }
0xb0: {  	v3 =	vperm.xlane v3, v2;
	v4 =	vadd.s32 v1, v4;
	_ =	sdelay $0x1  }
0xb1: {  	v3 =	vadd.s32 v1, v3;
	_ =	sdelay $0x2  }
0xb2: {  	[tilespmem:s12], [sflag:$0x2] =	stream.indirect_vreg.gather [hbm4b:s2+s4], $0x80, v4, vm0, $0xb8;
	[tilespmem:$0x19900] =	vst v63  }
0xb3: {  	_ = 	snop  }
0xb4: {  	[tilespmem:s13], [sflag:$0x2] =	stream.indirect_vreg.gather [hbm4b:s2+s4], $0x80, v3, vm0, $0xb8;
	[tilespmem:$0x19900] =	vst v63  }
0xb5: {  	v3 =	vld [tilespmem:$0xE0];
	_ =	sdelay $0x4  }
0xb6: {  	v62 =	vshll.u32 v3, $0x1  }
0xb7: {  	v3 =	vand.u32 $0x7, v3;
	v4 =	vand.u32 $0xFFFFFFF0, v62  }
0xb8: {  	v3 =	vor.u32 v3, v4  }
0xb9: {  	v4 =	vperm.xlane v3, v0;
	_ =	sdelay $0x1  }
0xba: {  	v3 =	vperm.xlane v3, v2;
	v4 =	vadd.s32 v1, v4;
	_ =	sdelay $0x1  }
0xbb: {  	v3 =	vadd.s32 v1, v3;
	_ =	sdelay $0x2  }
0xbc: {  	[tilespmem:s14], [sflag:$0x2] =	stream.indirect_vreg.gather [hbm4b:s2+s4], $0x80, v4, vm0, $0xb8;
	[tilespmem:$0x19900] =	vst v63  }
0xbd: {  	_ = 	snop  }
0xbe: {  	[tilespmem:s15], [sflag:$0x2] =	stream.indirect_vreg.gather [hbm4b:s2+s4], $0x80, v3, vm0, $0xb8;
	[tilespmem:$0x19900] =	vst v63  }
0xbf: {  	v3 =	vld [tilespmem:$0xF0];
	_ =	sdelay $0x4  }
0xc0: {  	v63 =	vshll.u32 v3, $0x1  }
0xc1: {  	v3 =	vand.u32 $0x7, v3;
	v4 =	vand.u32 $0xFFFFFFF0, v63  }
0xc2: {  	v3 =	vor.u32 v3, v4  }
0xc3: {  	v4 =	vperm.xlane v3, v0;
	_ =	sdelay $0x1  }
0xc4: {  	v3 =	vperm.xlane v3, v2;
	v4 =	vadd.s32 v1, v4;
	_ =	sdelay $0x1  }
0xc5: {  	v3 =	vadd.s32 v1, v3;
	_ =	sdelay $0x2  }
0xc6: {  	[tilespmem:s16], [sflag:$0x2] =	stream.indirect_vreg.gather [hbm4b:s2+s4], $0x80, v4, vm0, $0xb8;
	[tilespmem:$0x19900] =	vst v63  }
0xc7: {  	s25 =	simm.s32 $0x0  }
0xc8: {  	[tilespmem:s17], [sflag:$0x2] =	stream.indirect_vreg.gather [hbm4b:s2+s4], $0x80, v3, vm0, $0xb8;
	[tilespmem:$0x19900] =	vst v63  }
.LBB2_2:
0xc9: {  	s1 =	smul.u32 $0x180, s25;
	_ =	sdelay $0x1  }
0xca: {  	s1 =	sadd.s32 s5, s1  }
0xcb: {  	_ =	swait.ge [sflag:s18], $0x8000;
	s1 =	sshll.u32 s1, $0x5  }
0xcc: {  	s28 =	simm.s32 $0x100;
	[sflag:s18] =	ssyncset.done $0x0;
	s26 =	sadd.s32 s3, s1  }
0xcd: {  	[sflag:s18] =	ssyncadd.s32 $0xFFFF8000;
	s1 =	simm.s32 $0x1900;
	s29 =	sadd.s32 $0x0, s26  }
0xce: {  	[hbm4b:s29+s19] =	stream.strided.scatter [tilespmem:s1], [sflag:$0x4], $0x400, s20, s19, $0x38;
	[tilespmem:$0x19900] =	vst v63  }
0xcf: {  	s30 =	simm.s32 $0x1D00;
	s31 =	sadd.s32 $0x40, s29;
	s29 =	simm.s32 $0x2100  }
.LBB2_3:
0xd0: {  	[hbm4b:s31+s19] =	stream.strided.scatter [tilespmem:s30], [sflag:$0x4], $0x400, s20, s19, $0x38;
	[tilespmem:$0x19900] =	vst v63  }
0xd1: {  	s1 =	smov.u32 s28;
	p0 =	sne.s32 s28, $0xF00  }
.Ltmp2:
0xd2: {  	s28 =	sadd.s32 $0x100, s28;
	(pc) =	sbr.rel @p0 .LBB2_3-.Ltmp2, $4  }
0xd3: {  	_ = 	snop  }
0xd4: {  	s1 =	sadd.s32 s1, s26  }
0xd5: {  	[hbm4b:s1+s19] =	stream.strided.scatter [tilespmem:s29], [sflag:$0x4], $0x400, s20, s19, $0x38;
	[tilespmem:$0x19900] =	vst v63  }
0xd6: {  	s30 =	sadd.s32 $0x400, s29;
	s31 =	sadd.s32 $0x40, s1;
	s29 =	sadd.s32 $0x800, s29  }
0xd7: {  	s1 =	smul.u32 $0x3, s25  }
0xd8: {  	[hbm4b:s31+s19] =	stream.strided.scatter [tilespmem:s30], [sflag:$0x4], $0x400, s20, s19, $0x38;
	[tilespmem:$0x19900] =	vst v63  }
0xd9: {  	p0 =	seq.s32 s25, $0x10;
	s26 =	sadd.s32 $0xFFFFFFFF, s1  }
.Ltmp3:
0xda: {  	p1 =	sgt.u32 s26, $0x30;
	(pc) =	sbr.rel @p0 .LBB2_6-.Ltmp3, $4  }
0xdb: {  	s26 =	simm.s32 @!p1 $0x6  }
0xdc: {  	_ =	swait.ge @!p1 [sflag:s26], $0x8000  }
0xdd: {  	[sflag:s26] =	ssyncset.done @!p1 $0x0  }
0xde: {  	[sflag:s26] =	ssyncadd.s32 @!p1 $0xFFFF8000;
	s26 =	sadd.s32 $0x2, s1  }
0xdf: {  	s1 =	sshll.u32 s26, $0x7  }
0xe0: {  	s28 =	sand.u32 $0x3FFFFF80, s1  }
0xe1: {  	v3 =	vld [tilespmem:s28+$0x0];
	_ =	sdelay $0x4  }
0xe2: {  	v4 =	vshll.u32 v3, $0x1  }
0xe3: {  	v3 =	vand.u32 $0x7, v3;
	v4 =	vand.u32 $0xFFFFFFF0, v4  }
0xe4: {  	v3 =	vor.u32 v3, v4  }
0xe5: {  	v4 =	vperm.xlane v3, v0;
	_ =	sdelay $0x1  }
0xe6: {  	v3 =	vperm.xlane v3, v2;
	v4 =	vadd.s32 v1, v4;
	_ =	sdelay $0x1  }
0xe7: {  	v3 =	vadd.s32 v1, v3;
	_ =	sdelay $0x1  }
0xe8: {  	s31 =	simm.s32 $0x11900  }
0xe9: {  	[tilespmem:s31], [sflag:$0x3] =	stream.indirect_vreg.gather [hbm4b:s2+s4], $0x80, v4, vm0, $0xb8;
	[tilespmem:$0x19900] =	vst v63  }
0xea: {  	s29 =	simm.s32 $0x12100  }
0xeb: {  	[tilespmem:s29], [sflag:$0x3] =	stream.indirect_vreg.gather [hbm4b:s2+s4], $0x80, v3, vm0, $0xb8;
	[tilespmem:$0x19900] =	vst v63  }
0xec: {  	v3 =	vld [tilespmem:s28+$0x10];
	_ =	sdelay $0x4  }
0xed: {  	v57 =	vshll.u32 v3, $0x1  }
0xee: {  	v3 =	vand.u32 $0x7, v3;
	v4 =	vand.u32 $0xFFFFFFF0, v57  }
0xef: {  	v3 =	vor.u32 v3, v4  }
0xf0: {  	v4 =	vperm.xlane v3, v0;
	_ =	sdelay $0x1  }
0xf1: {  	v3 =	vperm.xlane v3, v2;
	v4 =	vadd.s32 v1, v4;
	_ =	sdelay $0x1  }
0xf2: {  	v3 =	vadd.s32 v1, v3;
	_ =	sdelay $0x1  }
0xf3: {  	s30 =	simm.s32 $0x12900  }
0xf4: {  	[tilespmem:s30], [sflag:$0x3] =	stream.indirect_vreg.gather [hbm4b:s2+s4], $0x80, v4, vm0, $0xb8;
	[tilespmem:$0x19900] =	vst v63  }
0xf5: {  	s31 =	simm.s32 $0x13100  }
0xf6: {  	[tilespmem:s31], [sflag:$0x3] =	stream.indirect_vreg.gather [hbm4b:s2+s4], $0x80, v3, vm0, $0xb8;
	[tilespmem:$0x19900] =	vst v63  }
0xf7: {  	v3 =	vld [tilespmem:s28+$0x20];
	_ =	sdelay $0x4  }
0xf8: {  	v58 =	vshll.u32 v3, $0x1  }
0xf9: {  	v3 =	vand.u32 $0x7, v3;
	v4 =	vand.u32 $0xFFFFFFF0, v58  }
0xfa: {  	v3 =	vor.u32 v3, v4  }
0xfb: {  	v4 =	vperm.xlane v3, v0;
	_ =	sdelay $0x1  }
0xfc: {  	v3 =	vperm.xlane v3, v2;
	v4 =	vadd.s32 v1, v4;
	_ =	sdelay $0x1  }
0xfd: {  	v3 =	vadd.s32 v1, v3;
	_ =	sdelay $0x1  }
0xfe: {  	s29 =	simm.s32 $0x13900  }
0xff: {  	[tilespmem:s29], [sflag:$0x3] =	stream.indirect_vreg.gather [hbm4b:s2+s4], $0x80, v4, vm0, $0xb8;
	[tilespmem:$0x19900] =	vst v63  }
0x100: {  	s30 =	simm.s32 $0x14100  }
0x101: {  	[tilespmem:s30], [sflag:$0x3] =	stream.indirect_vreg.gather [hbm4b:s2+s4], $0x80, v3, vm0, $0xb8;
	[tilespmem:$0x19900] =	vst v63  }
0x102: {  	v3 =	vld [tilespmem:s28+$0x30];
	_ =	sdelay $0x4  }
0x103: {  	v59 =	vshll.u32 v3, $0x1  }
0x104: {  	v3 =	vand.u32 $0x7, v3;
	v4 =	vand.u32 $0xFFFFFFF0, v59  }
0x105: {  	v3 =	vor.u32 v3, v4  }
0x106: {  	v4 =	vperm.xlane v3, v0;
	_ =	sdelay $0x1  }
0x107: {  	v3 =	vperm.xlane v3, v2;
	v4 =	vadd.s32 v1, v4;
	_ =	sdelay $0x1  }
0x108: {  	v3 =	vadd.s32 v1, v3;
	_ =	sdelay $0x1  }
0x109: {  	s31 =	simm.s32 $0x14900  }
0x10a: {  	[tilespmem:s31], [sflag:$0x3] =	stream.indirect_vreg.gather [hbm4b:s2+s4], $0x80, v4, vm0, $0xb8;
	[tilespmem:$0x19900] =	vst v63  }
0x10b: {  	s29 =	simm.s32 $0x15100  }
0x10c: {  	[tilespmem:s29], [sflag:$0x3] =	stream.indirect_vreg.gather [hbm4b:s2+s4], $0x80, v3, vm0, $0xb8;
	[tilespmem:$0x19900] =	vst v63  }
0x10d: {  	v3 =	vld [tilespmem:s28+$0x40];
	_ =	sdelay $0x4  }
0x10e: {  	v60 =	vshll.u32 v3, $0x1  }
0x10f: {  	v3 =	vand.u32 $0x7, v3;
	v4 =	vand.u32 $0xFFFFFFF0, v60  }
0x110: {  	v3 =	vor.u32 v3, v4  }
0x111: {  	v4 =	vperm.xlane v3, v0;
	_ =	sdelay $0x1  }
0x112: {  	v3 =	vperm.xlane v3, v2;
	v4 =	vadd.s32 v1, v4;
	_ =	sdelay $0x1  }
0x113: {  	v3 =	vadd.s32 v1, v3;
	_ =	sdelay $0x1  }
0x114: {  	s30 =	simm.s32 $0x15900  }
0x115: {  	[tilespmem:s30], [sflag:$0x3] =	stream.indirect_vreg.gather [hbm4b:s2+s4], $0x80, v4, vm0, $0xb8;
	[tilespmem:$0x19900] =	vst v63  }
0x116: {  	s31 =	simm.s32 $0x16100  }
0x117: {  	[tilespmem:s31], [sflag:$0x3] =	stream.indirect_vreg.gather [hbm4b:s2+s4], $0x80, v3, vm0, $0xb8;
	[tilespmem:$0x19900] =	vst v63  }
0x118: {  	v3 =	vld [tilespmem:s28+$0x50];
	_ =	sdelay $0x4  }
0x119: {  	v61 =	vshll.u32 v3, $0x1  }
0x11a: {  	v3 =	vand.u32 $0x7, v3;
	v4 =	vand.u32 $0xFFFFFFF0, v61  }
0x11b: {  	v3 =	vor.u32 v3, v4  }
0x11c: {  	v4 =	vperm.xlane v3, v0;
	_ =	sdelay $0x1  }
0x11d: {  	v3 =	vperm.xlane v3, v2;
	v4 =	vadd.s32 v1, v4;
	_ =	sdelay $0x1  }
0x11e: {  	v3 =	vadd.s32 v1, v3;
	_ =	sdelay $0x1  }
0x11f: {  	s29 =	simm.s32 $0x16900  }
0x120: {  	[tilespmem:s29], [sflag:$0x3] =	stream.indirect_vreg.gather [hbm4b:s2+s4], $0x80, v4, vm0, $0xb8;
	[tilespmem:$0x19900] =	vst v63  }
0x121: {  	s30 =	simm.s32 $0x17100  }
0x122: {  	[tilespmem:s30], [sflag:$0x3] =	stream.indirect_vreg.gather [hbm4b:s2+s4], $0x80, v3, vm0, $0xb8;
	[tilespmem:$0x19900] =	vst v63  }
0x123: {  	v3 =	vld [tilespmem:s28+$0x60];
	_ =	sdelay $0x4  }
0x124: {  	v62 =	vshll.u32 v3, $0x1  }
0x125: {  	v3 =	vand.u32 $0x7, v3;
	v4 =	vand.u32 $0xFFFFFFF0, v62  }
0x126: {  	v3 =	vor.u32 v3, v4  }
0x127: {  	v4 =	vperm.xlane v3, v0;
	_ =	sdelay $0x1  }
0x128: {  	v3 =	vperm.xlane v3, v2;
	v4 =	vadd.s32 v1, v4;
	_ =	sdelay $0x1  }
0x129: {  	v3 =	vadd.s32 v1, v3;
	_ =	sdelay $0x1  }
0x12a: {  	s31 =	simm.s32 $0x17900  }
0x12b: {  	[tilespmem:s31], [sflag:$0x3] =	stream.indirect_vreg.gather [hbm4b:s2+s4], $0x80, v4, vm0, $0xb8;
	[tilespmem:$0x19900] =	vst v63  }
0x12c: {  	s29 =	simm.s32 $0x18100  }
0x12d: {  	[tilespmem:s29], [sflag:$0x3] =	stream.indirect_vreg.gather [hbm4b:s2+s4], $0x80, v3, vm0, $0xb8;
	[tilespmem:$0x19900] =	vst v63  }
0x12e: {  	v3 =	vld [tilespmem:s28+$0x70];
	_ =	sdelay $0x4  }
0x12f: {  	v63 =	vshll.u32 v3, $0x1  }
0x130: {  	v3 =	vand.u32 $0x7, v3;
	v4 =	vand.u32 $0xFFFFFFF0, v63  }
0x131: {  	v3 =	vor.u32 v3, v4  }
0x132: {  	v4 =	vperm.xlane v3, v0;
	_ =	sdelay $0x1  }
0x133: {  	v3 =	vperm.xlane v3, v2;
	v4 =	vadd.s32 v1, v4;
	_ =	sdelay $0x1  }
0x134: {  	v3 =	vadd.s32 v1, v3;
	_ =	sdelay $0x1  }
0x135: {  	s30 =	simm.s32 $0x18900  }
0x136: {  	[tilespmem:s30], [sflag:$0x3] =	stream.indirect_vreg.gather [hbm4b:s2+s4], $0x80, v4, vm0, $0xb8;
	[tilespmem:$0x19900] =	vst v63  }
0x137: {  	s31 =	simm.s32 $0x19100  }
0x138: {  	[tilespmem:s31], [sflag:$0x3] =	stream.indirect_vreg.gather [hbm4b:s2+s4], $0x80, v3, vm0, $0xb8;
	[tilespmem:$0x19900] =	vst v63  }
.LBB2_6:
0x139: {  	s1 =	smul.u32 $0x18000, s25;
	_ =	sdelay $0x1  }
0x13a: {  	s1 =	sadd.s32 s1, s8  }
0x13b: {  	_ =	swait.ge [sflag:s21], $0x8000;
	s1 =	sshrl.u32 s1, $0x3  }
0x13c: {  	s29 =	simm.s32 $0x100;
	[sflag:s21] =	ssyncset.done $0x0;
	s28 =	sadd.s32 s3, s1  }
0x13d: {  	[sflag:s21] =	ssyncadd.s32 $0xFFFF8000;
	s1 =	simm.s32 $0x9900;
	s30 =	sadd.s32 $0x0, s28  }
0x13e: {  	[hbm4b:s30+s19] =	stream.strided.scatter [tilespmem:s1], [sflag:$0x5], $0x400, s20, s19, $0x38;
	[tilespmem:$0x19900] =	vst v63  }
0x13f: {  	s31 =	simm.s32 $0x9D00;
	s1 =	sadd.s32 $0x40, s30;
	s30 =	simm.s32 $0xA100  }
.LBB2_7:
0x140: {  	[hbm4b:s1+s19] =	stream.strided.scatter [tilespmem:s31], [sflag:$0x5], $0x400, s20, s19, $0x38;
	[tilespmem:$0x19900] =	vst v63  }
0x141: {  	s1 =	smov.u32 s29;
	p1 =	sne.s32 s29, $0xF00  }
.Ltmp4:
0x142: {  	s29 =	sadd.s32 $0x100, s29;
	(pc) =	sbr.rel @p1 .LBB2_7-.Ltmp4, $4  }
0x143: {  	_ = 	snop  }
0x144: {  	s1 =	sadd.s32 s1, s28  }
0x145: {  	[hbm4b:s1+s19] =	stream.strided.scatter [tilespmem:s30], [sflag:$0x5], $0x400, s20, s19, $0x38;
	[tilespmem:$0x19900] =	vst v63  }
0x146: {  	s31 =	sadd.s32 $0x400, s30;
	s1 =	sadd.s32 $0x40, s1;
	s30 =	sadd.s32 $0x800, s30  }
.Ltmp5:
0x147: {  	(pc) =	sbr.rel @p0 .LBB2_12-.Ltmp5, $4  }
0x148: {  	[hbm4b:s1+s19] =	stream.strided.scatter [tilespmem:s31], [sflag:$0x5], $0x400, s20, s19, $0x38;
	[tilespmem:$0x19900] =	vst v63  }
0x149: {  	_ =	swait.ge [sflag:s22], $0x8000  }
0x14a: {  	[sflag:s22] =	ssyncset.done $0x0  }
0x14b: {  	[sflag:s22] =	ssyncadd.s32 $0xFFFF8000  }
0x14c: {  	s1 =	smul.u32 $0x600, s25;
	_ =	sdelay $0x1  }
0x14d: {  	s28 =	sshra.s32 s1, $0x2  }
0x14e: {  	v3 =	vld [tilespmem:s28+$0x180];
	_ =	sdelay $0x4  }
0x14f: {  	v4 =	vshll.u32 v3, $0x1  }
0x150: {  	v3 =	vand.u32 $0x7, v3;
	v4 =	vand.u32 $0xFFFFFFF0, v4  }
0x151: {  	v3 =	vor.u32 v3, v4  }
0x152: {  	v4 =	vperm.xlane v3, v0;
	_ =	sdelay $0x1  }
0x153: {  	v3 =	vperm.xlane v3, v2;
	v4 =	vadd.s32 v1, v4;
	_ =	sdelay $0x1  }
0x154: {  	v3 =	vadd.s32 v1, v3;
	_ =	sdelay $0x1  }
0x155: {  	s29 =	simm.s32 $0x0;
	s1 =	simm.s32 $0x1900  }
0x156: {  	[tilespmem:s1], [sflag:$0x1] =	stream.indirect_vreg.gather [hbm4b:s2+s29], $0x80, v4, vm0, $0xb8;
	[tilespmem:$0x19900] =	vst v63  }
0x157: {  	s1 =	simm.s32 $0x2100  }
0x158: {  	[tilespmem:s1], [sflag:$0x1] =	stream.indirect_vreg.gather [hbm4b:s2+s29], $0x80, v3, vm0, $0xb8;
	[tilespmem:$0x19900] =	vst v63  }
0x159: {  	v3 =	vld [tilespmem:s28+$0x190];
	_ =	sdelay $0x4  }
0x15a: {  	v57 =	vshll.u32 v3, $0x1  }
0x15b: {  	v3 =	vand.u32 $0x7, v3;
	v4 =	vand.u32 $0xFFFFFFF0, v57  }
0x15c: {  	v3 =	vor.u32 v3, v4  }
0x15d: {  	v4 =	vperm.xlane v3, v0;
	_ =	sdelay $0x1  }
0x15e: {  	v3 =	vperm.xlane v3, v2;
	v4 =	vadd.s32 v1, v4;
	_ =	sdelay $0x1  }
0x15f: {  	v3 =	vadd.s32 v1, v3;
	_ =	sdelay $0x1  }
0x160: {  	s1 =	simm.s32 $0x2900  }
0x161: {  	[tilespmem:s1], [sflag:$0x1] =	stream.indirect_vreg.gather [hbm4b:s2+s29], $0x80, v4, vm0, $0xb8;
	[tilespmem:$0x19900] =	vst v63  }
0x162: {  	s1 =	simm.s32 $0x3100  }
0x163: {  	[tilespmem:s1], [sflag:$0x1] =	stream.indirect_vreg.gather [hbm4b:s2+s29], $0x80, v3, vm0, $0xb8;
	[tilespmem:$0x19900] =	vst v63  }
0x164: {  	v3 =	vld [tilespmem:s28+$0x1A0];
	_ =	sdelay $0x4  }
0x165: {  	v58 =	vshll.u32 v3, $0x1  }
0x166: {  	v3 =	vand.u32 $0x7, v3;
	v4 =	vand.u32 $0xFFFFFFF0, v58  }
0x167: {  	v3 =	vor.u32 v3, v4  }
0x168: {  	v4 =	vperm.xlane v3, v0;
	_ =	sdelay $0x1  }
0x169: {  	v3 =	vperm.xlane v3, v2;
	v4 =	vadd.s32 v1, v4;
	_ =	sdelay $0x1  }
0x16a: {  	v3 =	vadd.s32 v1, v3;
	_ =	sdelay $0x1  }
0x16b: {  	s1 =	simm.s32 $0x3900  }
0x16c: {  	[tilespmem:s1], [sflag:$0x1] =	stream.indirect_vreg.gather [hbm4b:s2+s29], $0x80, v4, vm0, $0xb8;
	[tilespmem:$0x19900] =	vst v63  }
0x16d: {  	s1 =	simm.s32 $0x4100  }
0x16e: {  	[tilespmem:s1], [sflag:$0x1] =	stream.indirect_vreg.gather [hbm4b:s2+s29], $0x80, v3, vm0, $0xb8;
	[tilespmem:$0x19900] =	vst v63  }
0x16f: {  	v3 =	vld [tilespmem:s28+$0x1B0];
	_ =	sdelay $0x4  }
0x170: {  	v59 =	vshll.u32 v3, $0x1  }
0x171: {  	v3 =	vand.u32 $0x7, v3;
	v4 =	vand.u32 $0xFFFFFFF0, v59  }
0x172: {  	v3 =	vor.u32 v3, v4  }
0x173: {  	v4 =	vperm.xlane v3, v0;
	_ =	sdelay $0x1  }
0x174: {  	v3 =	vperm.xlane v3, v2;
	v4 =	vadd.s32 v1, v4;
	_ =	sdelay $0x1  }
0x175: {  	v3 =	vadd.s32 v1, v3;
	_ =	sdelay $0x1  }
0x176: {  	s1 =	simm.s32 $0x4900  }
0x177: {  	[tilespmem:s1], [sflag:$0x1] =	stream.indirect_vreg.gather [hbm4b:s2+s29], $0x80, v4, vm0, $0xb8;
	[tilespmem:$0x19900] =	vst v63  }
0x178: {  	s1 =	simm.s32 $0x5100  }
0x179: {  	[tilespmem:s1], [sflag:$0x1] =	stream.indirect_vreg.gather [hbm4b:s2+s29], $0x80, v3, vm0, $0xb8;
	[tilespmem:$0x19900] =	vst v63  }
0x17a: {  	v3 =	vld [tilespmem:s28+$0x1C0];
	_ =	sdelay $0x4  }
0x17b: {  	v60 =	vshll.u32 v3, $0x1  }
0x17c: {  	v3 =	vand.u32 $0x7, v3;
	v4 =	vand.u32 $0xFFFFFFF0, v60  }
0x17d: {  	v3 =	vor.u32 v3, v4  }
0x17e: {  	v4 =	vperm.xlane v3, v0;
	_ =	sdelay $0x1  }
0x17f: {  	v3 =	vperm.xlane v3, v2;
	v4 =	vadd.s32 v1, v4;
	_ =	sdelay $0x1  }
0x180: {  	v3 =	vadd.s32 v1, v3;
	_ =	sdelay $0x1  }
0x181: {  	s1 =	simm.s32 $0x5900  }
0x182: {  	[tilespmem:s1], [sflag:$0x1] =	stream.indirect_vreg.gather [hbm4b:s2+s29], $0x80, v4, vm0, $0xb8;
	[tilespmem:$0x19900] =	vst v63  }
0x183: {  	s1 =	simm.s32 $0x6100  }
0x184: {  	[tilespmem:s1], [sflag:$0x1] =	stream.indirect_vreg.gather [hbm4b:s2+s29], $0x80, v3, vm0, $0xb8;
	[tilespmem:$0x19900] =	vst v63  }
0x185: {  	v3 =	vld [tilespmem:s28+$0x1D0];
	_ =	sdelay $0x4  }
0x186: {  	v61 =	vshll.u32 v3, $0x1  }
0x187: {  	v3 =	vand.u32 $0x7, v3;
	v4 =	vand.u32 $0xFFFFFFF0, v61  }
0x188: {  	v3 =	vor.u32 v3, v4  }
0x189: {  	v4 =	vperm.xlane v3, v0;
	_ =	sdelay $0x1  }
0x18a: {  	v3 =	vperm.xlane v3, v2;
	v4 =	vadd.s32 v1, v4;
	_ =	sdelay $0x1  }
0x18b: {  	v3 =	vadd.s32 v1, v3;
	_ =	sdelay $0x1  }
0x18c: {  	s1 =	simm.s32 $0x6900  }
0x18d: {  	[tilespmem:s1], [sflag:$0x1] =	stream.indirect_vreg.gather [hbm4b:s2+s29], $0x80, v4, vm0, $0xb8;
	[tilespmem:$0x19900] =	vst v63  }
0x18e: {  	s1 =	simm.s32 $0x7100  }
0x18f: {  	[tilespmem:s1], [sflag:$0x1] =	stream.indirect_vreg.gather [hbm4b:s2+s29], $0x80, v3, vm0, $0xb8;
	[tilespmem:$0x19900] =	vst v63  }
0x190: {  	v3 =	vld [tilespmem:s28+$0x1E0];
	_ =	sdelay $0x4  }
0x191: {  	v62 =	vshll.u32 v3, $0x1  }
0x192: {  	v3 =	vand.u32 $0x7, v3;
	v4 =	vand.u32 $0xFFFFFFF0, v62  }
0x193: {  	v3 =	vor.u32 v3, v4  }
0x194: {  	v4 =	vperm.xlane v3, v0;
	_ =	sdelay $0x1  }
0x195: {  	v3 =	vperm.xlane v3, v2;
	v4 =	vadd.s32 v1, v4;
	_ =	sdelay $0x1  }
0x196: {  	v3 =	vadd.s32 v1, v3;
	_ =	sdelay $0x1  }
0x197: {  	s1 =	simm.s32 $0x7900  }
0x198: {  	[tilespmem:s1], [sflag:$0x1] =	stream.indirect_vreg.gather [hbm4b:s2+s29], $0x80, v4, vm0, $0xb8;
	[tilespmem:$0x19900] =	vst v63  }
0x199: {  	s1 =	simm.s32 $0x8100  }
0x19a: {  	[tilespmem:s1], [sflag:$0x1] =	stream.indirect_vreg.gather [hbm4b:s2+s29], $0x80, v3, vm0, $0xb8;
	[tilespmem:$0x19900] =	vst v63  }
0x19b: {  	v3 =	vld [tilespmem:s28+$0x1F0];
	_ =	sdelay $0x4  }
0x19c: {  	v63 =	vshll.u32 v3, $0x1  }
0x19d: {  	v3 =	vand.u32 $0x7, v3;
	v4 =	vand.u32 $0xFFFFFFF0, v63  }
0x19e: {  	v3 =	vor.u32 v3, v4  }
0x19f: {  	v4 =	vperm.xlane v3, v0;
	_ =	sdelay $0x1  }
0x1a0: {  	v3 =	vperm.xlane v3, v2;
	v4 =	vadd.s32 v1, v4;
	_ =	sdelay $0x1  }
0x1a1: {  	v3 =	vadd.s32 v1, v3;
	_ =	sdelay $0x1  }
0x1a2: {  	s1 =	simm.s32 $0x8900  }
0x1a3: {  	[tilespmem:s1], [sflag:$0x1] =	stream.indirect_vreg.gather [hbm4b:s2+s29], $0x80, v4, vm0, $0xb8;
	[tilespmem:$0x19900] =	vst v63  }
0x1a4: {  	s26 =	sshll.u32 s26, $0xF;
	s1 =	simm.s32 $0x9100  }
0x1a5: {  	[tilespmem:s1], [sflag:$0x1] =	stream.indirect_vreg.gather [hbm4b:s2+s29], $0x80, v3, vm0, $0xb8;
	[tilespmem:$0x19900] =	vst v63  }
0x1a6: {  	s1 =	sadd.s32 s6, s26  }
0x1a7: {  	_ =	swait.ge [sflag:s24], $0x8000;
	s1 =	sshrl.u32 s1, $0x3  }
0x1a8: {  	s31 =	simm.s32 $0x11D00;
	[sflag:s24] =	ssyncset.done $0x0;
	s26 =	sadd.s32 s3, s1  }
0x1a9: {  	s1 =	simm.s32 $0x11900;
	[sflag:s24] =	ssyncadd.s32 $0xFFFF8000;
	s30 =	sadd.s32 $0x0, s26  }
0x1aa: {  	[hbm4b:s30+s19] =	stream.strided.scatter [tilespmem:s1], [sflag:$0x6], $0x400, s20, s19, $0x38;
	[tilespmem:$0x19900] =	vst v63  }
0x1ab: {  	s29 =	simm.s32 $0x100;
	s1 =	sadd.s32 $0x40, s30;
	s30 =	simm.s32 $0x12100  }
.LBB2_10:
0x1ac: {  	[hbm4b:s1+s19] =	stream.strided.scatter [tilespmem:s31], [sflag:$0x6], $0x400, s20, s19, $0x38;
	[tilespmem:$0x19900] =	vst v63  }
0x1ad: {  	s1 =	smov.u32 s29;
	p0 =	sne.s32 s29, $0xF00  }
.Ltmp6:
0x1ae: {  	s29 =	sadd.s32 $0x100, s29;
	(pc) =	sbr.rel @p0 .LBB2_10-.Ltmp6, $4  }
0x1af: {  	_ = 	snop  }
0x1b0: {  	s1 =	sadd.s32 s1, s26  }
0x1b1: {  	[hbm4b:s1+s19] =	stream.strided.scatter [tilespmem:s30], [sflag:$0x6], $0x400, s20, s19, $0x38;
	[tilespmem:$0x19900] =	vst v63  }
0x1b2: {  	s31 =	sadd.s32 $0x400, s30;
	s1 =	sadd.s32 $0x40, s1;
	s30 =	sadd.s32 $0x800, s30  }
0x1b3: {  	[hbm4b:s1+s19] =	stream.strided.scatter [tilespmem:s31], [sflag:$0x6], $0x400, s20, s19, $0x38;
	[tilespmem:$0x19900] =	vst v63  }
0x1b4: {  	_ =	swait.ge [sflag:s23], $0x8000  }
0x1b5: {  	[sflag:s23] =	ssyncset.done $0x0  }
0x1b6: {  	[sflag:s23] =	ssyncadd.s32 $0xFFFF8000  }
0x1b7: {  	v3 =	vld [tilespmem:s28+$0x200];
	_ =	sdelay $0x4  }
0x1b8: {  	v4 =	vshll.u32 v3, $0x1  }
0x1b9: {  	v3 =	vand.u32 $0x7, v3;
	v4 =	vand.u32 $0xFFFFFFF0, v4  }
0x1ba: {  	v3 =	vor.u32 v3, v4  }
0x1bb: {  	v4 =	vperm.xlane v3, v0;
	_ =	sdelay $0x1  }
0x1bc: {  	v3 =	vperm.xlane v3, v2;
	v4 =	vadd.s32 v1, v4;
	_ =	sdelay $0x1  }
0x1bd: {  	v3 =	vadd.s32 v1, v3;
	_ =	sdelay $0x1  }
0x1be: {  	s31 =	simm.s32 $0x9900  }
0x1bf: {  	[tilespmem:s31], [sflag:$0x2] =	stream.indirect_vreg.gather [hbm4b:s2+s4], $0x80, v4, vm0, $0xb8;
	[tilespmem:$0x19900] =	vst v63  }
0x1c0: {  	s26 =	simm.s32 $0xA100  }
0x1c1: {  	[tilespmem:s26], [sflag:$0x2] =	stream.indirect_vreg.gather [hbm4b:s2+s4], $0x80, v3, vm0, $0xb8;
	[tilespmem:$0x19900] =	vst v63  }
0x1c2: {  	v3 =	vld [tilespmem:s28+$0x210];
	_ =	sdelay $0x4  }
0x1c3: {  	v57 =	vshll.u32 v3, $0x1  }
0x1c4: {  	v3 =	vand.u32 $0x7, v3;
	v4 =	vand.u32 $0xFFFFFFF0, v57  }
0x1c5: {  	v3 =	vor.u32 v3, v4  }
0x1c6: {  	v4 =	vperm.xlane v3, v0;
	_ =	sdelay $0x1  }
0x1c7: {  	v3 =	vperm.xlane v3, v2;
	v4 =	vadd.s32 v1, v4;
	_ =	sdelay $0x1  }
0x1c8: {  	v3 =	vadd.s32 v1, v3;
	_ =	sdelay $0x1  }
0x1c9: {  	s29 =	simm.s32 $0xA900  }
0x1ca: {  	[tilespmem:s29], [sflag:$0x2] =	stream.indirect_vreg.gather [hbm4b:s2+s4], $0x80, v4, vm0, $0xb8;
	[tilespmem:$0x19900] =	vst v63  }
0x1cb: {  	s30 =	simm.s32 $0xB100  }
0x1cc: {  	[tilespmem:s30], [sflag:$0x2] =	stream.indirect_vreg.gather [hbm4b:s2+s4], $0x80, v3, vm0, $0xb8;
	[tilespmem:$0x19900] =	vst v63  }
0x1cd: {  	v3 =	vld [tilespmem:s28+$0x220];
	_ =	sdelay $0x4  }
0x1ce: {  	v58 =	vshll.u32 v3, $0x1  }
0x1cf: {  	v3 =	vand.u32 $0x7, v3;
	v4 =	vand.u32 $0xFFFFFFF0, v58  }
0x1d0: {  	v3 =	vor.u32 v3, v4  }
0x1d1: {  	v4 =	vperm.xlane v3, v0;
	_ =	sdelay $0x1  }
0x1d2: {  	v3 =	vperm.xlane v3, v2;
	v4 =	vadd.s32 v1, v4;
	_ =	sdelay $0x1  }
0x1d3: {  	v3 =	vadd.s32 v1, v3;
	_ =	sdelay $0x1  }
0x1d4: {  	s31 =	simm.s32 $0xB900  }
0x1d5: {  	[tilespmem:s31], [sflag:$0x2] =	stream.indirect_vreg.gather [hbm4b:s2+s4], $0x80, v4, vm0, $0xb8;
	[tilespmem:$0x19900] =	vst v63  }
0x1d6: {  	_ = 	snop  }
0x1d7: {  	[tilespmem:s0], [sflag:$0x2] =	stream.indirect_vreg.gather [hbm4b:s2+s4], $0x80, v3, vm0, $0xb8;
	[tilespmem:$0x19900] =	vst v63  }
0x1d8: {  	v3 =	vld [tilespmem:s28+$0x230];
	_ =	sdelay $0x4  }
0x1d9: {  	v59 =	vshll.u32 v3, $0x1  }
0x1da: {  	v3 =	vand.u32 $0x7, v3;
	v4 =	vand.u32 $0xFFFFFFF0, v59  }
0x1db: {  	v3 =	vor.u32 v3, v4  }
0x1dc: {  	v4 =	vperm.xlane v3, v0;
	_ =	sdelay $0x1  }
0x1dd: {  	v3 =	vperm.xlane v3, v2;
	v4 =	vadd.s32 v1, v4;
	_ =	sdelay $0x1  }
0x1de: {  	v3 =	vadd.s32 v1, v3;
	_ =	sdelay $0x2  }
0x1df: {  	[tilespmem:s7], [sflag:$0x2] =	stream.indirect_vreg.gather [hbm4b:s2+s4], $0x80, v4, vm0, $0xb8;
	[tilespmem:$0x19900] =	vst v63  }
0x1e0: {  	_ = 	snop  }
0x1e1: {  	[tilespmem:s9], [sflag:$0x2] =	stream.indirect_vreg.gather [hbm4b:s2+s4], $0x80, v3, vm0, $0xb8;
	[tilespmem:$0x19900] =	vst v63  }
0x1e2: {  	v3 =	vld [tilespmem:s28+$0x240];
	_ =	sdelay $0x4  }
0x1e3: {  	v60 =	vshll.u32 v3, $0x1  }
0x1e4: {  	v3 =	vand.u32 $0x7, v3;
	v4 =	vand.u32 $0xFFFFFFF0, v60  }
0x1e5: {  	v3 =	vor.u32 v3, v4  }
0x1e6: {  	v4 =	vperm.xlane v3, v0;
	_ =	sdelay $0x1  }
0x1e7: {  	v3 =	vperm.xlane v3, v2;
	v4 =	vadd.s32 v1, v4;
	_ =	sdelay $0x1  }
0x1e8: {  	v3 =	vadd.s32 v1, v3;
	_ =	sdelay $0x2  }
0x1e9: {  	[tilespmem:s10], [sflag:$0x2] =	stream.indirect_vreg.gather [hbm4b:s2+s4], $0x80, v4, vm0, $0xb8;
	[tilespmem:$0x19900] =	vst v63  }
0x1ea: {  	_ = 	snop  }
0x1eb: {  	[tilespmem:s11], [sflag:$0x2] =	stream.indirect_vreg.gather [hbm4b:s2+s4], $0x80, v3, vm0, $0xb8;
	[tilespmem:$0x19900] =	vst v63  }
0x1ec: {  	v3 =	vld [tilespmem:s28+$0x250];
	_ =	sdelay $0x4  }
0x1ed: {  	v61 =	vshll.u32 v3, $0x1  }
0x1ee: {  	v3 =	vand.u32 $0x7, v3;
	v4 =	vand.u32 $0xFFFFFFF0, v61  }
0x1ef: {  	v3 =	vor.u32 v3, v4  }
0x1f0: {  	v4 =	vperm.xlane v3, v0;
	_ =	sdelay $0x1  }
0x1f1: {  	v3 =	vperm.xlane v3, v2;
	v4 =	vadd.s32 v1, v4;
	_ =	sdelay $0x1  }
0x1f2: {  	v3 =	vadd.s32 v1, v3;
	_ =	sdelay $0x2  }
0x1f3: {  	[tilespmem:s12], [sflag:$0x2] =	stream.indirect_vreg.gather [hbm4b:s2+s4], $0x80, v4, vm0, $0xb8;
	[tilespmem:$0x19900] =	vst v63  }
0x1f4: {  	_ = 	snop  }
0x1f5: {  	[tilespmem:s13], [sflag:$0x2] =	stream.indirect_vreg.gather [hbm4b:s2+s4], $0x80, v3, vm0, $0xb8;
	[tilespmem:$0x19900] =	vst v63  }
0x1f6: {  	v3 =	vld [tilespmem:s28+$0x260];
	_ =	sdelay $0x4  }
0x1f7: {  	v62 =	vshll.u32 v3, $0x1  }
0x1f8: {  	v3 =	vand.u32 $0x7, v3;
	v4 =	vand.u32 $0xFFFFFFF0, v62  }
0x1f9: {  	v3 =	vor.u32 v3, v4  }
0x1fa: {  	v4 =	vperm.xlane v3, v0;
	_ =	sdelay $0x1  }
0x1fb: {  	v3 =	vperm.xlane v3, v2;
	v4 =	vadd.s32 v1, v4;
	_ =	sdelay $0x1  }
0x1fc: {  	v3 =	vadd.s32 v1, v3;
	_ =	sdelay $0x2  }
0x1fd: {  	[tilespmem:s14], [sflag:$0x2] =	stream.indirect_vreg.gather [hbm4b:s2+s4], $0x80, v4, vm0, $0xb8;
	[tilespmem:$0x19900] =	vst v63  }
0x1fe: {  	_ = 	snop  }
0x1ff: {  	[tilespmem:s15], [sflag:$0x2] =	stream.indirect_vreg.gather [hbm4b:s2+s4], $0x80, v3, vm0, $0xb8;
	[tilespmem:$0x19900] =	vst v63  }
0x200: {  	v3 =	vld [tilespmem:s28+$0x270];
	_ =	sdelay $0x4  }
0x201: {  	v63 =	vshll.u32 v3, $0x1  }
0x202: {  	v3 =	vand.u32 $0x7, v3;
	v4 =	vand.u32 $0xFFFFFFF0, v63  }
0x203: {  	v3 =	vor.u32 v3, v4  }
0x204: {  	v4 =	vperm.xlane v3, v0;
	_ =	sdelay $0x1  }
0x205: {  	v3 =	vperm.xlane v3, v2;
	v4 =	vadd.s32 v1, v4;
	_ =	sdelay $0x1  }
0x206: {  	v3 =	vadd.s32 v1, v3  }
.Ltmp7:
0x207: {  	_ = 	snop;
	(pc) =	sbr.rel .LBB2_2-.Ltmp7, $4  }
0x208: {  	_ = 	snop  }
0x209: {  	[tilespmem:s16], [sflag:$0x2] =	stream.indirect_vreg.gather [hbm4b:s2+s4], $0x80, v4, vm0, $0xb8;
	[tilespmem:$0x19900] =	vst v63  }
0x20a: {  	s25 =	sadd.s32 $0x1, s25  }
0x20b: {  	[tilespmem:s17], [sflag:$0x2] =	stream.indirect_vreg.gather [hbm4b:s2+s4], $0x80, v3, vm0, $0xb8;
	[tilespmem:$0x19900] =	vst v63  }
.LBB2_13:
0x20c: {  	_ =	sfence.sel $0x180000  }
0x20d: {  	[bflag:$0x0] =	sbarrier.arrive $0xFFFF  }
0x20e: {  	_ =	strace $0x90000047  }
0x20f: {  	s0 =	stileid.u32;
	[bflag:$0x2] =	sbarrier.arrive $0xFFFF  }
0x210: {  	p0 =	sne.s32 s0, $0x0;
	s0 =	rddreg [dreg:$0x3]  }
0x211: {  	s0 =	sadd.s32 @!p0 $0x100000, s0  }
0x212: {  	[sflag:s0] =	ssyncadd.tile.s32 @!p0 $0x1;
	_ =	shalt  }
.Lfunc_end2:
_tile_overlayer_lowered:
.L_overlay_start_2:
0x213: {  	(tag) =	ssettag $0x2  }
0x214: {  	s0 =	rddreg [dreg:$0x0];
	s2 =	stileid.u32  }
0x215: {  	s1 =	rddreg [dreg:$0x1];
	p0 =	sne.s32 s2, $0x0  }
0x216: {  	s3 =	rddreg [dreg:$0x2];
	[bflag:$0x3] =	sbarrier.arrive $0xFFFF;
	s2 =	simm.s32 @!p0 $0x1C07  }
0x217: {  	[timem:s3], [sflag:s2] =	dma.local @!p0 [hbm:s0], s1  }
0x218: {  	s0 =	simm.s32 @!p0 $0x7  }
0x219: {  	_ =	swait.ge @!p0 [sflag:s0], s1  }
0x21a: {  	s1 =	ssub.s32 @!p0 $0x0, s1;
	[sflag:s0] =	ssyncset.done @!p0 $0x0  }
0x21b: {  	[sflag:s0] =	ssyncadd.s32 @!p0 s1  }
0x21c: {  	[bflag:$0x3] =	sbarrier.arrive $0xFFFF  }
0x21d: {  	_ =	shalt  }

</sc_bundles>
